<compile_context>
chip_gen: v7x
topology: tpu7x:2x2x1
jax: 0.10.2.dev20260603
libtpu: 0.0.44.dev20260713+nightly
codegen_flags: <defaults>
</compile_context>

<pallas_src>
import functools

import jax
import jax.numpy as jnp
from jax import lax
from jax.experimental import pallas as pl
from jax.experimental.pallas import tpu as pltpu
from jax.experimental.pallas import tpu_sc as plsc

_EMBED_DIM = 128
_D_MODEL = 2 * _EMBED_DIM
_HIDDEN = 2 * _D_MODEL
_STEPS = 4
_SUP_PAD = 8
_SUP_ROWS = 2 * _SUP_PAD
_NSEL = 4 * _D_MODEL

_NC = 2
_NS = 16
_NW = _NC * _NS


def _sc_gather(table, idx1, idx2, supidx):
    n = idx1.shape[0]
    b_per_w = n // _NS
    mesh = plsc.VectorSubcoreMesh(core_axis_name="c", subcore_axis_name="s")

    @functools.partial(
        pl.kernel,
        mesh=mesh,
        out_type=(
            jax.ShapeDtypeStruct((n, _EMBED_DIM), jnp.float32),
            jax.ShapeDtypeStruct((n, _EMBED_DIM), jnp.float32),
            jax.ShapeDtypeStruct((_SUP_ROWS, _EMBED_DIM), jnp.float32),
        ),
        scratch_types=[
            pltpu.VMEM((b_per_w,), jnp.int32),
            pltpu.VMEM((b_per_w, _EMBED_DIM), jnp.float32),
            pltpu.VMEM((_SUP_ROWS,), jnp.int32),
            pltpu.VMEM((_SUP_ROWS, _EMBED_DIM), jnp.float32),
            pltpu.SemaphoreType.DMA,
        ],
    )
    def gather_kernel(table_hbm, i1_hbm, i2_hbm, sf_hbm, o1_hbm, o2_hbm,
                      os_hbm, idx_v, rows_v, idxs_v, rows_s, sem):
        wid = lax.axis_index("s") * _NC + lax.axis_index("c")
        half = wid // _NS
        woff = wid % _NS
        base = woff * b_per_w

        @pl.when(half == 0)
        def _():
            pltpu.sync_copy(i1_hbm.at[pl.ds(base, b_per_w)], idx_v)

        @pl.when(half == 1)
        def _():
            pltpu.sync_copy(i2_hbm.at[pl.ds(base, b_per_w)], idx_v)

        pltpu.async_copy(table_hbm.at[idx_v], rows_v, sem).wait()

        @pl.when(half == 0)
        def _():
            pltpu.sync_copy(rows_v, o1_hbm.at[pl.ds(base, b_per_w)])

        @pl.when(half == 1)
        def _():
            pltpu.sync_copy(rows_v, o2_hbm.at[pl.ds(base, b_per_w)])

        @pl.when(wid == _NW - 1)
        def _():
            pltpu.sync_copy(sf_hbm, idxs_v)
            pltpu.async_copy(table_hbm.at[idxs_v], rows_s, sem).wait()
            pltpu.sync_copy(rows_s, os_hbm)

    return gather_kernel(table, idx1, idx2, supidx)


def _sigmoid_pre(x):
    return 0.5 + 0.5 * jnp.tanh(x)


def _gate_rows(w):
    return jnp.concatenate(
        [w[g * _HIDDEN:g * _HIDDEN + _D_MODEL] for g in range(4)], axis=0)


def _matcher_body(few, nsplit, qa_ref, qb_ref, sp_ref, p1w_ref, p1b_ref,
                  p2w_ref, p2b_ref, lna_ref, lnb_ref, wihs_ref, whhs_ref,
                  bsel_ref, out_ref, sg_scr, sr_scr):
    f32 = jnp.float32
    dims = (((1,), (1,)), ((), ()))
    ed = _EMBED_DIM
    d = _D_MODEL

    @pl.when(pl.program_id(0) == 0)
    def _():
        s = sp_ref[...].reshape(_SUP_PAD, _D_MODEL)
        h1 = lax.dot_general(s, p1w_ref[...], dims,
                             preferred_element_type=f32)
        h1 = jnp.maximum(h1 + p1b_ref[...], 0.0)
        h2 = lax.dot_general(h1, p2w_ref[...], dims,
                             preferred_element_type=f32)
        z = h2 + p2b_ref[...] + s
        mu = jnp.mean(z, axis=1, keepdims=True)
        zc = z - mu
        var = jnp.sum(zc * zc, axis=1, keepdims=True) / (_D_MODEL - 1)
        sgv = zc / (jnp.sqrt(var) + 1e-6) * lna_ref[...] + lnb_ref[...]
        row = lax.broadcasted_iota(jnp.int32, (_SUP_PAD, 1), 0)
        sgv = jnp.where(row < few, sgv, 0.0)
        sg_scr[...] = sgv
        sr_scr[...] = lax.dot_general(sgv, whhs_ref[...][:, d:], dims,
                                      preferred_element_type=f32)

    sg = sg_scr[...]
    s_r = sr_scr[...]
    wihs = wihs_ref[...]
    whh_h = whhs_ref[...][:, :d]

    col = lax.broadcasted_iota(jnp.int32, (1, _SUP_PAD), 1)
    hb = qa_ref.shape[0] // nsplit
    for p in range(nsplit):
        rows = pl.ds(p * hb, hb)
        qa = qa_ref[rows, :]
        qb = qb_ref[rows, :]
        g0 = (lax.dot_general(qa, wihs[:, :ed], dims,
                              preferred_element_type=f32)
              + lax.dot_general(qb, wihs[:, ed:], dims,
                                preferred_element_type=f32)
              + bsel_ref[...])
        g0qh = (g0
                + lax.dot_general(qa, whh_h[:, :ed], dims,
                                  preferred_element_type=f32)
                + lax.dot_general(qb, whh_h[:, ed:], dims,
                                  preferred_element_type=f32))
        qs = (lax.dot_general(qa, sg[:, :ed], dims,
                              preferred_element_type=f32)
              + lax.dot_general(qb, sg[:, ed:], dims,
                                preferred_element_type=f32))

        gates = g0
        c = None
        for t in range(_STEPS):
            gi = _sigmoid_pre(gates[:, :d])
            gg = jnp.tanh(gates[:, 2 * d:3 * d])
            if c is None:
                c = gi * gg
            else:
                gf = _sigmoid_pre(gates[:, d:2 * d])
                c = gf * c + gi * gg
            go = _sigmoid_pre(gates[:, 3 * d:])
            hch = go * jnp.tanh(c)
            logits = qs + lax.dot_general(hch, sg, dims,
                                          preferred_element_type=f32)
            if t == _STEPS - 1:
                out_ref[rows, :] = logits[:, :few]
            else:
                lm = jnp.where(col < few, logits, -1e30)
                m = jnp.max(lm, axis=1, keepdims=True)
                e = jnp.exp(lm - m)
                attn = e / jnp.sum(e, axis=1, keepdims=True)
                gates = (g0qh
                         + lax.dot_general(hch, whh_h, dims,
                                           preferred_element_type=f32)
                         + jnp.dot(attn, s_r, preferred_element_type=f32))


def _matcher_call(q1, q2, srows, proj1_w, proj1_b, proj2_w, proj2_b, ln_a,
                  ln_b, w_ih, w_hh, b_ih, b_hh, few, blk):
    batch = q1.shape[0]
    nb = batch // blk
    gscale = jnp.concatenate(
        [jnp.full((_D_MODEL, 1), 0.5 if g != 2 else 1.0, jnp.float32)
         for g in range(4)], axis=0)
    wihs = _gate_rows(w_ih) * gscale
    whhs = _gate_rows(w_hh) * gscale
    bsel = (_gate_rows((b_ih + b_hh).reshape(-1, 1))
            * gscale).reshape(1, _NSEL)
    whole = lambda shape: pl.BlockSpec(shape, lambda i: (0, 0))
    return pl.pallas_call(
        functools.partial(_matcher_body, few, 2),
        grid=(nb,),
        in_specs=[
            pl.BlockSpec((blk, _EMBED_DIM), lambda i: (i, 0)),
            pl.BlockSpec((blk, _EMBED_DIM), lambda i: (i, 0)),
            whole((_SUP_ROWS, _EMBED_DIM)),
            whole(proj1_w.shape),
            whole((1, proj1_b.shape[0])),
            whole(proj2_w.shape),
            whole((1, proj2_b.shape[0])),
            whole((1, ln_a.shape[0])),
            whole((1, ln_b.shape[0])),
            whole(wihs.shape),
            whole(whhs.shape),
            whole((1, _NSEL)),
        ],
        out_specs=pl.BlockSpec((blk, few), lambda i: (i, 0)),
        out_shape=jax.ShapeDtypeStruct((batch, few), jnp.float32),
        scratch_shapes=[
            pltpu.VMEM((_SUP_PAD, _D_MODEL), jnp.float32),
            pltpu.VMEM((_SUP_PAD, _NSEL), jnp.float32),
        ],
        compiler_params=pltpu.CompilerParams(
            dimension_semantics=("arbitrary",)),
    )(q1, q2, srows, proj1_w, proj1_b.reshape(1, -1), proj2_w,
      proj2_b.reshape(1, -1), ln_a.reshape(1, -1), ln_b.reshape(1, -1),
      wihs, whhs, bsel)


def kernel(query, support, table, proj1_w, proj1_b, proj2_w, proj2_b,
           ln_a, ln_b, w_ih, w_hh, b_ih, b_hh):
    few = support.shape[0]
    zero_row = table.shape[0] - 1
    supidx = jnp.concatenate(
        [support.reshape(-1).astype(jnp.int32),
         jnp.full((_SUP_ROWS - 2 * few,), zero_row, jnp.int32)])
    qi = query.astype(jnp.int32)
    q1, q2, srows = _sc_gather(table, qi[:, 0], qi[:, 1], supidx)
    return _matcher_call(q1, q2, srows, proj1_w, proj1_b, proj2_w, proj2_b,
                         ln_a, ln_b, w_ih, w_hh, b_ih, b_hh, few, blk=1024)

# --- scband reference (transcript-rebuilt; emitter-appended) ---
"""Pipeline reference for scband-embed-matcher-1786706395769 (READ-ONLY COPY).

The authoritative reference and input builder live on the scoring server;
editing this copy changes nothing except your own understanding.
"""

import jax, jax.numpy as jnp
import numpy as np

EMBED_DIM = 128
NUM_SYMBOLS = 100000
D_MODEL = 2 * EMBED_DIM
D_INNER = 2 * D_MODEL
HIDDEN = 2 * D_MODEL
PROCESS_STEPS = 4
BATCH = 4096
FEW = 5


def setup_inputs(seed: int = 0):
    key = jax.random.key(seed)
    ks = jax.random.split(key, 8)
    query = jax.random.randint(ks[0], (BATCH, 2), 0, NUM_SYMBOLS)
    support = jax.random.randint(ks[1], (FEW, 2), 0, NUM_SYMBOLS)
    table = jax.random.normal(ks[2], (NUM_SYMBOLS + 1, EMBED_DIM), dtype=jnp.float32) * 0.02
    table = table.at[NUM_SYMBOLS].set(0.0)
    proj1_w = jax.random.normal(ks[3], (D_INNER, D_MODEL), dtype=jnp.float32) * (1.0 / np.sqrt(D_MODEL))
    proj1_b = jnp.zeros((D_INNER,), dtype=jnp.float32)
    proj2_w = jax.random.normal(ks[4], (D_MODEL, D_INNER), dtype=jnp.float32) * (1.0 / np.sqrt(D_INNER))
    proj2_b = jnp.zeros((D_MODEL,), dtype=jnp.float32)
    ln_a = jnp.ones((D_MODEL,), dtype=jnp.float32)
    ln_b = jnp.zeros((D_MODEL,), dtype=jnp.float32)
    w_ih = jax.random.normal(ks[5], (4 * HIDDEN, D_MODEL), dtype=jnp.float32) * (1.0 / np.sqrt(HIDDEN))
    w_hh = jax.random.normal(ks[6], (4 * HIDDEN, HIDDEN), dtype=jnp.float32) * (1.0 / np.sqrt(HIDDEN))
    b_ih = jnp.zeros((4 * HIDDEN,), dtype=jnp.float32)
    b_hh = jnp.zeros((4 * HIDDEN,), dtype=jnp.float32)
    return {"query": query, "support": support, "table": table, "proj1_w": proj1_w, "proj1_b": proj1_b, "proj2_w": proj2_w, "proj2_b": proj2_b, "ln_a": ln_a, "ln_b": ln_b, "w_ih": w_ih, "w_hh": w_hh, "b_ih": b_ih, "b_hh": b_hh}


def _support_encoder(s, proj1_w, proj1_b, proj2_w, proj2_b, ln_a, ln_b):
    residual = s
    out = jax.nn.relu(s @ proj1_w.T + proj1_b)
    out = out @ proj2_w.T + proj2_b
    z = out + residual
    mu = jnp.mean(z, axis=-1, keepdims=True)
    sigma = jnp.std(z, axis=-1, keepdims=True, ddof=1)
    return (z - mu) / (sigma + 1e-6) * ln_a + ln_b


def _query_encoder(support_g, q, w_ih, w_hh, b_ih, b_hh):
    B = q.shape[0]
    h_r = jnp.zeros((B, HIDDEN), dtype=q.dtype)
    c = jnp.zeros((B, HIDDEN), dtype=q.dtype)
    h = q
    for _ in range(PROCESS_STEPS):
        gates = q @ w_ih.T + b_ih + h_r @ w_hh.T + b_hh
        i, f, g, o = jnp.split(gates, 4, axis=1)
        i = jax.nn.sigmoid(i)
        f = jax.nn.sigmoid(f)
        g = jnp.tanh(g)
        o = jax.nn.sigmoid(o)
        c = f * c + i * g
        h_cell = o * jnp.tanh(c)
        h = q + h_cell[:, :D_MODEL]
        attn = jax.nn.softmax(h @ support_g.T, axis=1)
        r = attn @ support_g
        h_r = jnp.concatenate([h, r], axis=1)
    return h


def reference(query, support, table, proj1_w, proj1_b, proj2_w, proj2_b, ln_a, ln_b, w_ih, w_hh, b_ih, b_hh):
    # dropout layers are identity in eval mode
    s = jnp.take(table, support, axis=0).reshape(-1, D_MODEL)
    q = jnp.take(table, query, axis=0).reshape(-1, D_MODEL)
    support_g = _support_encoder(s[None, :, :], proj1_w, proj1_b, proj2_w, proj2_b, ln_a, ln_b)[0]
    query_f = _query_encoder(support_g, q, w_ih, w_hh, b_ih, b_hh)
    matching_scores = query_f @ support_g.T
    return jnp.squeeze(matching_scores)

if __name__ == "__main__":
    import jax
    _d = setup_inputs()
    print(jax.jit(kernel)(*tuple(_d.values())))

</pallas_src>

<mosaic_0001>
#map = affine_map<(d0, d1) -> (0, 0)>
#map1 = affine_map<(d0, d1) -> (0)>
module attributes {stable_mosaic.version = 14 : i64} {
  func.func @gather_kernel(%arg0: i32, %arg1: i32, %arg2: memref<100001x128xf32, #tpu.memory_space<hbm>>, %arg3: memref<4096xi32, #tpu.memory_space<hbm>>, %arg4: memref<4096xi32, #tpu.memory_space<hbm>>, %arg5: memref<16xi32, #tpu.memory_space<hbm>>, %arg6: memref<4096x128xf32, #tpu.memory_space<hbm>>, %arg7: memref<4096x128xf32, #tpu.memory_space<hbm>>, %arg8: memref<16x128xf32, #tpu.memory_space<hbm>>, %arg9: memref<256xi32, #tpu.memory_space<vmem>>, %arg10: memref<256x128xf32, #tpu.memory_space<vmem>>, %arg11: memref<16xi32, #tpu.memory_space<vmem>>, %arg12: memref<16x128xf32, #tpu.memory_space<vmem>>, %arg13: memref<!tpu.dma_semaphore, #tpu.memory_space<semaphore_mem>>) attributes {dimension_semantics = [#tpu.dimension_semantics<core_parallel>, #tpu.dimension_semantics<subcore_parallel>], iteration_bounds = array<i64: 2, 16>, scalar_prefetch = 0 : i64, scratch_operands = 5 : i64, tpu.core_type = #tpu.core_type<sc_vector_subcore>, window_params = [{transform_indices = #map}, {transform_indices = #map1}, {transform_indices = #map1}, {transform_indices = #map1}, {transform_indices = #map}, {transform_indices = #map}, {transform_indices = #map}]} {
    %mul3A = arith.constant 2 : i32
    %mul3A_0 = arith.muli %arg1, %mul3A : i32
    %add3A = arith.addi %mul3A_0, %arg0 : i32
    %jit3A = arith.constant 16 : i32
    %div3A = arith.divsi %add3A, %jit3A : i32
    %sign3A = arith.constant 0 : i32
    %sign3A_1 = arith.cmpi sgt, %add3A, %sign3A : i32
    %sign3A_2 = arith.extui %sign3A_1 : i1 to i32
    %sign3A_3 = arith.constant 0 : i32
    %sign3A_4 = arith.cmpi slt, %add3A, %sign3A_3 : i32
    %sign3A_5 = arith.extui %sign3A_4 : i1 to i32
    %sign3A_6 = arith.subi %sign3A_2, %sign3A_5 : i32
    %sign3A_7 = arith.constant 0 : i32
    %sign3A_8 = arith.cmpi sgt, %jit3A, %sign3A_7 : i32
    %sign3A_9 = arith.extui %sign3A_8 : i1 to i32
    %sign3A_10 = arith.constant 0 : i32
    %sign3A_11 = arith.cmpi slt, %jit3A, %sign3A_10 : i32
    %sign3A_12 = arith.extui %sign3A_11 : i1 to i32
    %sign3A_13 = arith.subi %sign3A_9, %sign3A_12 : i32
    %ne3A = arith.cmpi ne, %sign3A_6, %sign3A_13 : i32
    %rem3A = arith.remsi %add3A, %jit3A : i32
    %ne3A_14 = arith.constant 0 : i32
    %ne3A_15 = arith.cmpi ne, %rem3A, %ne3A_14 : i32
    %and3A = arith.andi %ne3A, %ne3A_15 : i1
    %sub3A = arith.constant 1 : i32
    %sub3A_16 = arith.subi %div3A, %sub3A : i32
    %select_n3A = arith.select %and3A, %sub3A_16, %div3A : i32
    %jit3A_17 = arith.constant 16 : i32
    %eq3A = arith.constant 0 : i32
    %eq3A_18 = arith.cmpi eq, %jit3A_17, %eq3A : i32
    %jit3A_19 = arith.constant 1 : i32
    %select_n3A_20 = arith.select %eq3A_18, %jit3A_19, %jit3A_17 : i32
    %rem3A_21 = arith.remsi %add3A, %select_n3A_20 : i32
    %ne3A_22 = arith.constant 0 : i32
    %ne3A_23 = arith.cmpi ne, %rem3A_21, %ne3A_22 : i32
    %lt3A = arith.constant 0 : i32
    %lt3A_24 = arith.cmpi slt, %rem3A_21, %lt3A : i32
    %lt3A_25 = arith.constant 0 : i32
    %lt3A_26 = arith.cmpi slt, %select_n3A_20, %lt3A_25 : i32
    %ne3A_27 = arith.xori %lt3A_24, %lt3A_26 : i1
    %and3A_28 = arith.andi %ne3A_27, %ne3A_23 : i1
    %add3A_29 = arith.addi %rem3A_21, %select_n3A_20 : i32
    %select_n3A_30 = arith.select %and3A_28, %add3A_29, %rem3A_21 : i32
    %mul3A_31 = arith.constant 256 : i32
    %mul3A_32 = arith.muli %select_n3A_30, %mul3A_31 : i32
    %eq3A_33 = arith.constant 0 : i32
    %eq3A_34 = arith.cmpi eq, %select_n3A, %eq3A_33 : i32
    %convert_element_type3A = arith.extui %eq3A_34 : i1 to i32
    %cond3A = arith.constant 0 : i32
    %cond3A_35 = arith.cmpi ne, %convert_element_type3A, %cond3A : i32
    scf.if %cond3A_35 {
      "tpu.region"() ({
        %run_scoped3A = tpu.sem_alloc : memref<!tpu.dma_semaphore, #tpu.memory_space<semaphore_mem>>
        %dma_start3A_60 = tpu.memref_slice %arg3[%mul3A_32] : memref<4096xi32, #tpu.memory_space<hbm>> -> memref<256xi32, #tpu.memory_space<hbm>>
        %dma_start3A_61 = tpu.memref_slice %arg3[%mul3A_32] : memref<4096xi32, #tpu.memory_space<hbm>> -> memref<256xi32, #tpu.memory_space<hbm>>
        tpu.enqueue_dma source(%dma_start3A_61 : memref<256xi32, #tpu.memory_space<hbm>>) target(%arg9 : memref<256xi32, #tpu.memory_space<vmem>>) target_semaphore(%run_scoped3A : memref<!tpu.dma_semaphore, #tpu.memory_space<semaphore_mem>>)
        %dma_wait3A_62 = tpu.memref_slice %arg3[%mul3A_32] : memref<4096xi32, #tpu.memory_space<hbm>> -> memref<256xi32, #tpu.memory_space<hbm>>
        %dma_wait3A_63 = tpu.memref_slice %arg3[%mul3A_32] : memref<4096xi32, #tpu.memory_space<hbm>> -> memref<256xi32, #tpu.memory_space<hbm>>
        tpu.wait_dma2 semaphore(%run_scoped3A : memref<!tpu.dma_semaphore, #tpu.memory_space<semaphore_mem>>) src(%dma_wait3A_63 : memref<256xi32, #tpu.memory_space<hbm>>) dst(%arg9 : memref<256xi32, #tpu.memory_space<vmem>>)
        tpu.yield
      }) : () -> ()
    } else {
    }
    %eq3A_36 = arith.constant 1 : i32
    %eq3A_37 = arith.cmpi eq, %select_n3A, %eq3A_36 : i32
    %convert_element_type3A_38 = arith.extui %eq3A_37 : i1 to i32
    %cond3A_39 = arith.constant 0 : i32
    %cond3A_40 = arith.cmpi ne, %convert_element_type3A_38, %cond3A_39 : i32
    scf.if %cond3A_40 {
      "tpu.region"() ({
        %run_scoped3A = tpu.sem_alloc : memref<!tpu.dma_semaphore, #tpu.memory_space<semaphore_mem>>
        %dma_start3A_60 = tpu.memref_slice %arg4[%mul3A_32] : memref<4096xi32, #tpu.memory_space<hbm>> -> memref<256xi32, #tpu.memory_space<hbm>>
        %dma_start3A_61 = tpu.memref_slice %arg4[%mul3A_32] : memref<4096xi32, #tpu.memory_space<hbm>> -> memref<256xi32, #tpu.memory_space<hbm>>
        tpu.enqueue_dma source(%dma_start3A_61 : memref<256xi32, #tpu.memory_space<hbm>>) target(%arg9 : memref<256xi32, #tpu.memory_space<vmem>>) target_semaphore(%run_scoped3A : memref<!tpu.dma_semaphore, #tpu.memory_space<semaphore_mem>>)
        %dma_wait3A_62 = tpu.memref_slice %arg4[%mul3A_32] : memref<4096xi32, #tpu.memory_space<hbm>> -> memref<256xi32, #tpu.memory_space<hbm>>
        %dma_wait3A_63 = tpu.memref_slice %arg4[%mul3A_32] : memref<4096xi32, #tpu.memory_space<hbm>> -> memref<256xi32, #tpu.memory_space<hbm>>
        tpu.wait_dma2 semaphore(%run_scoped3A : memref<!tpu.dma_semaphore, #tpu.memory_space<semaphore_mem>>) src(%dma_wait3A_63 : memref<256xi32, #tpu.memory_space<hbm>>) dst(%arg9 : memref<256xi32, #tpu.memory_space<vmem>>)
        tpu.yield
      }) : () -> ()
    } else {
    }
    %dma_start3A = arith.constant 0 : i32
    %dma_start3A_41 = arith.constant 0 : i32
    %dma_start3A_42 = tpu.memref_slice %arg2[%dma_start3A, %dma_start3A_41] : memref<100001x128xf32, #tpu.memory_space<hbm>> -> memref<100001x128xf32, #tpu.memory_space<hbm>>
    tpu.enqueue_indirect_dma source(%dma_start3A_42 : memref<100001x128xf32, #tpu.memory_space<hbm>>) target(%arg10 : memref<256x128xf32, #tpu.memory_space<vmem>>) offsets(%arg9 : memref<256xi32, #tpu.memory_space<vmem>>) semaphore(%arg13 : memref<!tpu.dma_semaphore, #tpu.memory_space<semaphore_mem>>)
    %dma_wait3A = arith.constant 0 : i32
    %dma_wait3A_43 = arith.constant 0 : i32
    %dma_wait3A_44 = tpu.memref_slice %arg2[%dma_wait3A, %dma_wait3A_43] : memref<100001x128xf32, #tpu.memory_space<hbm>> -> memref<100001x128xf32, #tpu.memory_space<hbm>>
    tpu.wait_indirect_dma semaphore(%arg13 : memref<!tpu.dma_semaphore, #tpu.memory_space<semaphore_mem>>) src(%dma_wait3A_44 : memref<100001x128xf32, #tpu.memory_space<hbm>>) dst(%arg10 : memref<256x128xf32, #tpu.memory_space<vmem>>)
    %eq3A_45 = arith.constant 0 : i32
    %eq3A_46 = arith.cmpi eq, %select_n3A, %eq3A_45 : i32
    %convert_element_type3A_47 = arith.extui %eq3A_46 : i1 to i32
    %cond3A_48 = arith.constant 0 : i32
    %cond3A_49 = arith.cmpi ne, %convert_element_type3A_47, %cond3A_48 : i32
    scf.if %cond3A_49 {
      "tpu.region"() ({
        %run_scoped3A = tpu.sem_alloc : memref<!tpu.dma_semaphore, #tpu.memory_space<semaphore_mem>>
        %dma_start3A_60 = arith.constant 0 : i32
        %dma_start3A_61 = tpu.memref_slice %arg6[%mul3A_32, %dma_start3A_60] : memref<4096x128xf32, #tpu.memory_space<hbm>> -> memref<256x128xf32, #tpu.memory_space<hbm>>
        %dma_start3A_62 = arith.constant 0 : i32
        %dma_start3A_63 = tpu.memref_slice %arg6[%mul3A_32, %dma_start3A_62] : memref<4096x128xf32, #tpu.memory_space<hbm>> -> memref<256x128xf32, #tpu.memory_space<hbm>>
        tpu.enqueue_dma source(%arg10 : memref<256x128xf32, #tpu.memory_space<vmem>>) target(%dma_start3A_63 : memref<256x128xf32, #tpu.memory_space<hbm>>) target_semaphore(%run_scoped3A : memref<!tpu.dma_semaphore, #tpu.memory_space<semaphore_mem>>)
        %dma_wait3A_64 = arith.constant 0 : i32
        %dma_wait3A_65 = tpu.memref_slice %arg6[%mul3A_32, %dma_wait3A_64] : memref<4096x128xf32, #tpu.memory_space<hbm>> -> memref<256x128xf32, #tpu.memory_space<hbm>>
        %dma_wait3A_66 = arith.constant 0 : i32
        %dma_wait3A_67 = tpu.memref_slice %arg6[%mul3A_32, %dma_wait3A_66] : memref<4096x128xf32, #tpu.memory_space<hbm>> -> memref<256x128xf32, #tpu.memory_space<hbm>>
        tpu.wait_dma2 semaphore(%run_scoped3A : memref<!tpu.dma_semaphore, #tpu.memory_space<semaphore_mem>>) src(%arg10 : memref<256x128xf32, #tpu.memory_space<vmem>>) dst(%dma_wait3A_67 : memref<256x128xf32, #tpu.memory_space<hbm>>)
        tpu.yield
      }) : () -> ()
    } else {
    }
    %eq3A_50 = arith.constant 1 : i32
    %eq3A_51 = arith.cmpi eq, %select_n3A, %eq3A_50 : i32
    %convert_element_type3A_52 = arith.extui %eq3A_51 : i1 to i32
    %cond3A_53 = arith.constant 0 : i32
    %cond3A_54 = arith.cmpi ne, %convert_element_type3A_52, %cond3A_53 : i32
    scf.if %cond3A_54 {
      "tpu.region"() ({
        %run_scoped3A = tpu.sem_alloc : memref<!tpu.dma_semaphore, #tpu.memory_space<semaphore_mem>>
        %dma_start3A_60 = arith.constant 0 : i32
        %dma_start3A_61 = tpu.memref_slice %arg7[%mul3A_32, %dma_start3A_60] : memref<4096x128xf32, #tpu.memory_space<hbm>> -> memref<256x128xf32, #tpu.memory_space<hbm>>
        %dma_start3A_62 = arith.constant 0 : i32
        %dma_start3A_63 = tpu.memref_slice %arg7[%mul3A_32, %dma_start3A_62] : memref<4096x128xf32, #tpu.memory_space<hbm>> -> memref<256x128xf32, #tpu.memory_space<hbm>>
        tpu.enqueue_dma source(%arg10 : memref<256x128xf32, #tpu.memory_space<vmem>>) target(%dma_start3A_63 : memref<256x128xf32, #tpu.memory_space<hbm>>) target_semaphore(%run_scoped3A : memref<!tpu.dma_semaphore, #tpu.memory_space<semaphore_mem>>)
        %dma_wait3A_64 = arith.constant 0 : i32
        %dma_wait3A_65 = tpu.memref_slice %arg7[%mul3A_32, %dma_wait3A_64] : memref<4096x128xf32, #tpu.memory_space<hbm>> -> memref<256x128xf32, #tpu.memory_space<hbm>>
        %dma_wait3A_66 = arith.constant 0 : i32
        %dma_wait3A_67 = tpu.memref_slice %arg7[%mul3A_32, %dma_wait3A_66] : memref<4096x128xf32, #tpu.memory_space<hbm>> -> memref<256x128xf32, #tpu.memory_space<hbm>>
        tpu.wait_dma2 semaphore(%run_scoped3A : memref<!tpu.dma_semaphore, #tpu.memory_space<semaphore_mem>>) src(%arg10 : memref<256x128xf32, #tpu.memory_space<vmem>>) dst(%dma_wait3A_67 : memref<256x128xf32, #tpu.memory_space<hbm>>)
        tpu.yield
      }) : () -> ()
    } else {
    }
    %eq3A_55 = arith.constant 31 : i32
    %eq3A_56 = arith.cmpi eq, %add3A, %eq3A_55 : i32
    %convert_element_type3A_57 = arith.extui %eq3A_56 : i1 to i32
    %cond3A_58 = arith.constant 0 : i32
    %cond3A_59 = arith.cmpi ne, %convert_element_type3A_57, %cond3A_58 : i32
    scf.if %cond3A_59 {
      "tpu.region"() ({
        %run_scoped3A = tpu.sem_alloc : memref<!tpu.dma_semaphore, #tpu.memory_space<semaphore_mem>>
        tpu.enqueue_dma source(%arg5 : memref<16xi32, #tpu.memory_space<hbm>>) target(%arg11 : memref<16xi32, #tpu.memory_space<vmem>>) target_semaphore(%run_scoped3A : memref<!tpu.dma_semaphore, #tpu.memory_space<semaphore_mem>>)
        tpu.wait_dma2 semaphore(%run_scoped3A : memref<!tpu.dma_semaphore, #tpu.memory_space<semaphore_mem>>) src(%arg5 : memref<16xi32, #tpu.memory_space<hbm>>) dst(%arg11 : memref<16xi32, #tpu.memory_space<vmem>>)
        tpu.yield
      }) : () -> ()
      %dma_start3A_60 = arith.constant 0 : i32
      %dma_start3A_61 = arith.constant 0 : i32
      %dma_start3A_62 = tpu.memref_slice %arg2[%dma_start3A_60, %dma_start3A_61] : memref<100001x128xf32, #tpu.memory_space<hbm>> -> memref<100001x128xf32, #tpu.memory_space<hbm>>
      tpu.enqueue_indirect_dma source(%dma_start3A_62 : memref<100001x128xf32, #tpu.memory_space<hbm>>) target(%arg12 : memref<16x128xf32, #tpu.memory_space<vmem>>) offsets(%arg11 : memref<16xi32, #tpu.memory_space<vmem>>) semaphore(%arg13 : memref<!tpu.dma_semaphore, #tpu.memory_space<semaphore_mem>>)
      %dma_wait3A_63 = arith.constant 0 : i32
      %dma_wait3A_64 = arith.constant 0 : i32
      %dma_wait3A_65 = tpu.memref_slice %arg2[%dma_wait3A_63, %dma_wait3A_64] : memref<100001x128xf32, #tpu.memory_space<hbm>> -> memref<100001x128xf32, #tpu.memory_space<hbm>>
      tpu.wait_indirect_dma semaphore(%arg13 : memref<!tpu.dma_semaphore, #tpu.memory_space<semaphore_mem>>) src(%dma_wait3A_65 : memref<100001x128xf32, #tpu.memory_space<hbm>>) dst(%arg12 : memref<16x128xf32, #tpu.memory_space<vmem>>)
      "tpu.region"() ({
        %run_scoped3A = tpu.sem_alloc : memref<!tpu.dma_semaphore, #tpu.memory_space<semaphore_mem>>
        tpu.enqueue_dma source(%arg12 : memref<16x128xf32, #tpu.memory_space<vmem>>) target(%arg8 : memref<16x128xf32, #tpu.memory_space<hbm>>) target_semaphore(%run_scoped3A : memref<!tpu.dma_semaphore, #tpu.memory_space<semaphore_mem>>)
        tpu.wait_dma2 semaphore(%run_scoped3A : memref<!tpu.dma_semaphore, #tpu.memory_space<semaphore_mem>>) src(%arg12 : memref<16x128xf32, #tpu.memory_space<vmem>>) dst(%arg8 : memref<16x128xf32, #tpu.memory_space<hbm>>)
        tpu.yield
      }) : () -> ()
    } else {
    }
    return
  }
}

module attributes {stable_mosaic.version = 14 : i64} {
  func.func @_matcher_body(%arg0: i32, %arg1: memref<1024x128xf32, #tpu.memory_space<vmem>>, %arg2: memref<1024x128xf32, #tpu.memory_space<vmem>>, %arg3: memref<16x128xf32, #tpu.memory_space<vmem>>, %arg4: memref<512x256xf32, #tpu.memory_space<vmem>>, %arg5: memref<1x512xf32, #tpu.memory_space<vmem>>, %arg6: memref<256x512xf32, #tpu.memory_space<vmem>>, %arg7: memref<1x256xf32, #tpu.memory_space<vmem>>, %arg8: memref<1x256xf32, #tpu.memory_space<vmem>>, %arg9: memref<1x256xf32, #tpu.memory_space<vmem>>, %arg10: memref<1024x256xf32, #tpu.memory_space<vmem>>, %arg11: memref<1024x512xf32, #tpu.memory_space<vmem>>, %arg12: memref<1x1024xf32, #tpu.memory_space<vmem>>, %arg13: memref<1024x5xf32, #tpu.memory_space<vmem>>, %arg14: memref<8x256xf32, #tpu.memory_space<vmem>>, %arg15: memref<8x1024xf32, #tpu.memory_space<vmem>>) attributes {dimension_semantics = [#tpu.dimension_semantics<arbitrary>], iteration_bounds = array<i64: 4>, scalar_prefetch = 0 : i64, scratch_operands = 2 : i64, tpu.core_type = #tpu.core_type<tc>, window_params = [{transform_indices = @transform_0, window_bounds = array<i64: 1024, 128>}, {transform_indices = @transform_1, window_bounds = array<i64: 1024, 128>}, {pipeline_mode = #tpu.pipeline_mode<synchronous>, transform_indices = @transform_2, window_bounds = array<i64: 16, 128>}, {pipeline_mode = #tpu.pipeline_mode<synchronous>, transform_indices = @transform_3, window_bounds = array<i64: 512, 256>}, {pipeline_mode = #tpu.pipeline_mode<synchronous>, transform_indices = @transform_4, window_bounds = array<i64: 1, 512>}, {pipeline_mode = #tpu.pipeline_mode<synchronous>, transform_indices = @transform_5, window_bounds = array<i64: 256, 512>}, {pipeline_mode = #tpu.pipeline_mode<synchronous>, transform_indices = @transform_6, window_bounds = array<i64: 1, 256>}, {pipeline_mode = #tpu.pipeline_mode<synchronous>, transform_indices = @transform_7, window_bounds = array<i64: 1, 256>}, {pipeline_mode = #tpu.pipeline_mode<synchronous>, transform_indices = @transform_8, window_bounds = array<i64: 1, 256>}, {pipeline_mode = #tpu.pipeline_mode<synchronous>, transform_indices = @transform_9, window_bounds = array<i64: 1024, 256>}, {pipeline_mode = #tpu.pipeline_mode<synchronous>, transform_indices = @transform_10, window_bounds = array<i64: 1024, 512>}, {pipeline_mode = #tpu.pipeline_mode<synchronous>, transform_indices = @transform_11, window_bounds = array<i64: 1, 1024>}, {transform_indices = @transform_12, window_bounds = array<i64: 1024, 5>}]} {
    %eq3A = arith.constant 0 : i32
    %eq3A_0 = arith.cmpi eq, %arg0, %eq3A : i32
    %convert_element_type3A = arith.extui %eq3A_0 : i1 to i32
    %cond3A = arith.constant 0 : i32
    %cond3A_1 = arith.cmpi ne, %convert_element_type3A, %cond3A : i32
    scf.if %cond3A_1 {
      %get3A_475 = arith.constant 0 : index
      %get3A_476 = arith.constant 0 : index
      %get3A_477 = vector.load %arg3[%get3A_475, %get3A_476] : memref<16x128xf32, #tpu.memory_space<vmem>>, vector<16x128xf32>
      %reshape3A = vector.shape_cast %get3A_477 : vector<16x128xf32> to vector<8x256xf32>
      %get3A_478 = arith.constant 0 : index
      %get3A_479 = arith.constant 0 : index
      %get3A_480 = vector.load %arg4[%get3A_478, %get3A_479] : memref<512x256xf32, #tpu.memory_space<vmem>>, vector<512x256xf32>
      %dot_general3A_481 = arith.constant dense<0.000000e+00> : vector<8x512xf32>
      %dot_general3A_482 = tpu.matmul %reshape3A, %get3A_480, %dot_general3A_481 {dimension_numbers = #tpu.dot_dimension_numbers<[1], [1], [0], [0], [0, 0, 1, 0], [], []>, transpose_lhs_hint = false} : vector<8x256xf32>, vector<512x256xf32>, vector<8x512xf32> -> vector<8x512xf32>
      %get3A_483 = arith.constant 0 : index
      %get3A_484 = arith.constant 0 : index
      %get3A_485 = vector.load %arg5[%get3A_483, %get3A_484] : memref<1x512xf32, #tpu.memory_space<vmem>>, vector<1x512xf32>
      %add3A_486 = vector.broadcast %get3A_485 : vector<1x512xf32> to vector<8x512xf32>
      %add3A_487 = arith.addf %dot_general3A_482, %add3A_486 : vector<8x512xf32>
      %max3A = arith.constant 0.000000e+00 : f32
      %max3A_488 = vector.broadcast %max3A : f32 to vector<8x512xf32>
      %max3A_489 = arith.maximumf %add3A_487, %max3A_488 : vector<8x512xf32>
      %get3A_490 = arith.constant 0 : index
      %get3A_491 = arith.constant 0 : index
      %get3A_492 = vector.load %arg6[%get3A_490, %get3A_491] : memref<256x512xf32, #tpu.memory_space<vmem>>, vector<256x512xf32>
      %dot_general3A_493 = arith.constant dense<0.000000e+00> : vector<8x256xf32>
      %dot_general3A_494 = tpu.matmul %max3A_489, %get3A_492, %dot_general3A_493 {dimension_numbers = #tpu.dot_dimension_numbers<[1], [1], [0], [0], [0, 0, 1, 0], [], []>, transpose_lhs_hint = false} : vector<8x512xf32>, vector<256x512xf32>, vector<8x256xf32> -> vector<8x256xf32>
      %get3A_495 = arith.constant 0 : index
      %get3A_496 = arith.constant 0 : index
      %get3A_497 = vector.load %arg7[%get3A_495, %get3A_496] : memref<1x256xf32, #tpu.memory_space<vmem>>, vector<1x256xf32>
      %add3A_498 = vector.broadcast %get3A_497 : vector<1x256xf32> to vector<8x256xf32>
      %add3A_499 = arith.addf %dot_general3A_494, %add3A_498 : vector<8x256xf32>
      %add3A_500 = arith.addf %add3A_499, %reshape3A : vector<8x256xf32>
      %reduce_sum3A_501 = arith.constant dense<0.000000e+00> : vector<8xf32>
      %reduce_sum3A_502 = vector.multi_reduction <add>, %add3A_500, %reduce_sum3A_501 [1] : vector<8x256xf32> to vector<8xf32>
      %broadcast_in_dim3A_503 = vector.shape_cast %reduce_sum3A_502 : vector<8xf32> to vector<8x1xf32>
      %div3A_504 = arith.constant 2.560000e+02 : f32
      %div3A_505 = vector.broadcast %div3A_504 : f32 to vector<8x1xf32>
      %div3A_506 = arith.divf %broadcast_in_dim3A_503, %div3A_505 : vector<8x1xf32>
      %sub3A_507 = vector.broadcast %div3A_506 : vector<8x1xf32> to vector<8x256xf32>
      %sub3A_508 = arith.subf %add3A_500, %sub3A_507 : vector<8x256xf32>
      %mul3A_509 = arith.mulf %sub3A_508, %sub3A_508 : vector<8x256xf32>
      %reduce_sum3A_510 = arith.constant dense<0.000000e+00> : vector<8xf32>
      %reduce_sum3A_511 = vector.multi_reduction <add>, %mul3A_509, %reduce_sum3A_510 [1] : vector<8x256xf32> to vector<8xf32>
      %broadcast_in_dim3A_512 = vector.shape_cast %reduce_sum3A_511 : vector<8xf32> to vector<8x1xf32>
      %div3A_513 = arith.constant 2.550000e+02 : f32
      %div3A_514 = vector.broadcast %div3A_513 : f32 to vector<8x1xf32>
      %div3A_515 = arith.divf %broadcast_in_dim3A_512, %div3A_514 : vector<8x1xf32>
      %sqrt3A = math.sqrt %div3A_515 : vector<8x1xf32>
      %add3A_516 = arith.constant 9.99999997E-7 : f32
      %add3A_517 = vector.broadcast %add3A_516 : f32 to vector<8x1xf32>
      %add3A_518 = arith.addf %sqrt3A, %add3A_517 : vector<8x1xf32>
      %div3A_519 = vector.broadcast %add3A_518 : vector<8x1xf32> to vector<8x256xf32>
      %div3A_520 = arith.divf %sub3A_508, %div3A_519 : vector<8x256xf32>
      %get3A_521 = arith.constant 0 : index
      %get3A_522 = arith.constant 0 : index
      %get3A_523 = vector.load %arg8[%get3A_521, %get3A_522] : memref<1x256xf32, #tpu.memory_space<vmem>>, vector<1x256xf32>
      %mul3A_524 = vector.broadcast %get3A_523 : vector<1x256xf32> to vector<8x256xf32>
      %mul3A_525 = arith.mulf %div3A_520, %mul3A_524 : vector<8x256xf32>
      %get3A_526 = arith.constant 0 : index
      %get3A_527 = arith.constant 0 : index
      %get3A_528 = vector.load %arg9[%get3A_526, %get3A_527] : memref<1x256xf32, #tpu.memory_space<vmem>>, vector<1x256xf32>
      %add3A_529 = vector.broadcast %get3A_528 : vector<1x256xf32> to vector<8x256xf32>
      %add3A_530 = arith.addf %mul3A_525, %add3A_529 : vector<8x256xf32>
      %iota3A_531 = tpu.iota {dimensions = array<i32: 0>} : vector<8x1xi32>
      %lt3A_532 = arith.constant 5 : i32
      %lt3A_533 = vector.broadcast %lt3A_532 : i32 to vector<8x1xi32>
      %lt3A_534 = arith.cmpi slt, %iota3A_531, %lt3A_533 : vector<8x1xi32>
      %jit3A_535 = arith.constant 0.000000e+00 : f32
      %broadcast_in_dim3A_536 = vector.shape_cast %lt3A_534 : vector<8x1xi1> to vector<8x1xi1>
      %broadcast_in_dim3A_537 = vector.broadcast %broadcast_in_dim3A_536 : vector<8x1xi1> to vector<8x256xi1>
      %broadcast_in_dim3A_538 = vector.broadcast %jit3A_535 : f32 to vector<8x256xf32>
      %select_n3A_539 = arith.select %broadcast_in_dim3A_537, %add3A_530, %broadcast_in_dim3A_538 : vector<8x256xi1>, vector<8x256xf32>
      %swap3A_540 = arith.constant 0 : index
      %swap3A_541 = arith.constant 0 : index
      %swap3A_542 = vector.load %arg14[%swap3A_540, %swap3A_541] : memref<8x256xf32, #tpu.memory_space<vmem>>, vector<8x256xf32>
      tpu.vector_store %arg14[%swap3A_540, %swap3A_541], %select_n3A_539 {strides = array<i32>} : memref<8x256xf32, #tpu.memory_space<vmem>>, vector<8x256xf32>,
      %get3A_543 = arith.constant 0 : index
      %get3A_544 = arith.constant 0 : index
      %get3A_545 = vector.load %arg11[%get3A_543, %get3A_544] : memref<1024x512xf32, #tpu.memory_space<vmem>>, vector<1024x512xf32>
      %slice3A_546 = vector.extract_strided_slice %get3A_545 {offsets = [0, 256], sizes = [1024, 256], strides = [1, 1]} : vector<1024x512xf32> to vector<1024x256xf32>
      %dot_general3A_547 = arith.constant dense<0.000000e+00> : vector<8x1024xf32>
      %dot_general3A_548 = tpu.matmul %select_n3A_539, %slice3A_546, %dot_general3A_547 {dimension_numbers = #tpu.dot_dimension_numbers<[1], [1], [0], [0], [0, 0, 1, 0], [], []>, transpose_lhs_hint = false} : vector<8x256xf32>, vector<1024x256xf32>, vector<8x1024xf32> -> vector<8x1024xf32>
      %swap3A_549 = arith.constant 0 : index
      %swap3A_550 = arith.constant 0 : index
      %swap3A_551 = vector.load %arg15[%swap3A_549, %swap3A_550] : memref<8x1024xf32, #tpu.memory_space<vmem>>, vector<8x1024xf32>
      tpu.vector_store %arg15[%swap3A_549, %swap3A_550], %dot_general3A_548 {strides = array<i32>} : memref<8x1024xf32, #tpu.memory_space<vmem>>, vector<8x1024xf32>,
    } else {
    }
    %get3A = arith.constant 0 : index
    %get3A_2 = arith.constant 0 : index
    %get3A_3 = vector.load %arg14[%get3A, %get3A_2] : memref<8x256xf32, #tpu.memory_space<vmem>>, vector<8x256xf32>
    %get3A_4 = arith.constant 0 : index
    %get3A_5 = arith.constant 0 : index
    %get3A_6 = vector.load %arg15[%get3A_4, %get3A_5] : memref<8x1024xf32, #tpu.memory_space<vmem>>, vector<8x1024xf32>
    %get3A_7 = arith.constant 0 : index
    %get3A_8 = arith.constant 0 : index
    %get3A_9 = vector.load %arg10[%get3A_7, %get3A_8] : memref<1024x256xf32, #tpu.memory_space<vmem>>, vector<1024x256xf32>
    %get3A_10 = arith.constant 0 : index
    %get3A_11 = arith.constant 0 : index
    %get3A_12 = vector.load %arg11[%get3A_10, %get3A_11] : memref<1024x512xf32, #tpu.memory_space<vmem>>, vector<1024x512xf32>
    %slice3A = vector.extract_strided_slice %get3A_12 {offsets = [0, 0], sizes = [1024, 256], strides = [1, 1]} : vector<1024x512xf32> to vector<1024x256xf32>
    %iota3A = tpu.iota {dimensions = array<i32: 1>} : vector<1x8xi32>
    %get3A_13 = arith.constant 0 : index
    %get3A_14 = arith.constant 0 : index
    %get3A_15 = vector.load %arg1[%get3A_13, %get3A_14] : memref<1024x128xf32, #tpu.memory_space<vmem>>, vector<512x128xf32>
    %get3A_16 = arith.constant 0 : index
    %get3A_17 = arith.constant 0 : index
    %get3A_18 = vector.load %arg2[%get3A_16, %get3A_17] : memref<1024x128xf32, #tpu.memory_space<vmem>>, vector<512x128xf32>
    %slice3A_19 = vector.extract_strided_slice %get3A_9 {offsets = [0, 0], sizes = [1024, 128], strides = [1, 1]} : vector<1024x256xf32> to vector<1024x128xf32>
    %dot_general3A = arith.constant dense<0.000000e+00> : vector<512x1024xf32>
    %dot_general3A_20 = tpu.matmul %get3A_15, %slice3A_19, %dot_general3A {dimension_numbers = #tpu.dot_dimension_numbers<[1], [1], [0], [0], [0, 0, 1, 0], [], []>, transpose_lhs_hint = false} : vector<512x128xf32>, vector<1024x128xf32>, vector<512x1024xf32> -> vector<512x1024xf32>
    %slice3A_21 = vector.extract_strided_slice %get3A_9 {offsets = [0, 128], sizes = [1024, 128], strides = [1, 1]} : vector<1024x256xf32> to vector<1024x128xf32>
    %dot_general3A_22 = arith.constant dense<0.000000e+00> : vector<512x1024xf32>
    %dot_general3A_23 = tpu.matmul %get3A_18, %slice3A_21, %dot_general3A_22 {dimension_numbers = #tpu.dot_dimension_numbers<[1], [1], [0], [0], [0, 0, 1, 0], [], []>, transpose_lhs_hint = false} : vector<512x128xf32>, vector<1024x128xf32>, vector<512x1024xf32> -> vector<512x1024xf32>
    %add3A = arith.addf %dot_general3A_20, %dot_general3A_23 : vector<512x1024xf32>
    %get3A_24 = arith.constant 0 : index
    %get3A_25 = arith.constant 0 : index
    %get3A_26 = vector.load %arg12[%get3A_24, %get3A_25] : memref<1x1024xf32, #tpu.memory_space<vmem>>, vector<1x1024xf32>
    %add3A_27 = vector.broadcast %get3A_26 : vector<1x1024xf32> to vector<512x1024xf32>
    %add3A_28 = arith.addf %add3A, %add3A_27 : vector<512x1024xf32>
    %slice3A_29 = vector.extract_strided_slice %slice3A {offsets = [0, 0], sizes = [1024, 128], strides = [1, 1]} : vector<1024x256xf32> to vector<1024x128xf32>
    %dot_general3A_30 = arith.constant dense<0.000000e+00> : vector<512x1024xf32>
    %dot_general3A_31 = tpu.matmul %get3A_15, %slice3A_29, %dot_general3A_30 {dimension_numbers = #tpu.dot_dimension_numbers<[1], [1], [0], [0], [0, 0, 1, 0], [], []>, transpose_lhs_hint = false} : vector<512x128xf32>, vector<1024x128xf32>, vector<512x1024xf32> -> vector<512x1024xf32>
    %add3A_32 = arith.addf %add3A_28, %dot_general3A_31 : vector<512x1024xf32>
    %slice3A_33 = vector.extract_strided_slice %slice3A {offsets = [0, 128], sizes = [1024, 128], strides = [1, 1]} : vector<1024x256xf32> to vector<1024x128xf32>
    %dot_general3A_34 = arith.constant dense<0.000000e+00> : vector<512x1024xf32>
    %dot_general3A_35 = tpu.matmul %get3A_18, %slice3A_33, %dot_general3A_34 {dimension_numbers = #tpu.dot_dimension_numbers<[1], [1], [0], [0], [0, 0, 1, 0], [], []>, transpose_lhs_hint = false} : vector<512x128xf32>, vector<1024x128xf32>, vector<512x1024xf32> -> vector<512x1024xf32>
    %add3A_36 = arith.addf %add3A_32, %dot_general3A_35 : vector<512x1024xf32>
    %slice3A_37 = vector.extract_strided_slice %get3A_3 {offsets = [0, 0], sizes = [8, 128], strides = [1, 1]} : vector<8x256xf32> to vector<8x128xf32>
    %dot_general3A_38 = arith.constant dense<0.000000e+00> : vector<512x8xf32>
    %dot_general3A_39 = tpu.matmul %get3A_15, %slice3A_37, %dot_general3A_38 {dimension_numbers = #tpu.dot_dimension_numbers<[1], [1], [0], [0], [0, 0, 1, 0], [], []>, transpose_lhs_hint = false} : vector<512x128xf32>, vector<8x128xf32>, vector<512x8xf32> -> vector<512x8xf32>
    %slice3A_40 = vector.extract_strided_slice %get3A_3 {offsets = [0, 128], sizes = [8, 128], strides = [1, 1]} : vector<8x256xf32> to vector<8x128xf32>
    %dot_general3A_41 = arith.constant dense<0.000000e+00> : vector<512x8xf32>
    %dot_general3A_42 = tpu.matmul %get3A_18, %slice3A_40, %dot_general3A_41 {dimension_numbers = #tpu.dot_dimension_numbers<[1], [1], [0], [0], [0, 0, 1, 0], [], []>, transpose_lhs_hint = false} : vector<512x128xf32>, vector<8x128xf32>, vector<512x8xf32> -> vector<512x8xf32>
    %add3A_43 = arith.addf %dot_general3A_39, %dot_general3A_42 : vector<512x8xf32>
    %slice3A_44 = vector.extract_strided_slice %add3A_28 {offsets = [0, 0], sizes = [512, 256], strides = [1, 1]} : vector<512x1024xf32> to vector<512x256xf32>
    %tanh3A = math.tanh %slice3A_44 : vector<512x256xf32>
    %mul3A = arith.constant 5.000000e-01 : f32
    %mul3A_45 = vector.broadcast %mul3A : f32 to vector<512x256xf32>
    %mul3A_46 = arith.mulf %mul3A_45, %tanh3A : vector<512x256xf32>
    %add3A_47 = arith.constant 5.000000e-01 : f32
    %add3A_48 = vector.broadcast %add3A_47 : f32 to vector<512x256xf32>
    %add3A_49 = arith.addf %add3A_48, %mul3A_46 : vector<512x256xf32>
    %slice3A_50 = vector.extract_strided_slice %add3A_28 {offsets = [0, 512], sizes = [512, 256], strides = [1, 1]} : vector<512x1024xf32> to vector<512x256xf32>
    %tanh3A_51 = math.tanh %slice3A_50 : vector<512x256xf32>
    %mul3A_52 = arith.mulf %add3A_49, %tanh3A_51 : vector<512x256xf32>
    %slice3A_53 = vector.extract_strided_slice %add3A_28 {offsets = [0, 768], sizes = [512, 256], strides = [1, 1]} : vector<512x1024xf32> to vector<512x256xf32>
    %tanh3A_54 = math.tanh %slice3A_53 : vector<512x256xf32>
    %mul3A_55 = arith.constant 5.000000e-01 : f32
    %mul3A_56 = vector.broadcast %mul3A_55 : f32 to vector<512x256xf32>
    %mul3A_57 = arith.mulf %mul3A_56, %tanh3A_54 : vector<512x256xf32>
    %add3A_58 = arith.constant 5.000000e-01 : f32
    %add3A_59 = vector.broadcast %add3A_58 : f32 to vector<512x256xf32>
    %add3A_60 = arith.addf %add3A_59, %mul3A_57 : vector<512x256xf32>
    %tanh3A_61 = math.tanh %mul3A_52 : vector<512x256xf32>
    %mul3A_62 = arith.mulf %add3A_60, %tanh3A_61 : vector<512x256xf32>
    %dot_general3A_63 = arith.constant dense<0.000000e+00> : vector<512x8xf32>
    %dot_general3A_64 = tpu.matmul %mul3A_62, %get3A_3, %dot_general3A_63 {dimension_numbers = #tpu.dot_dimension_numbers<[1], [1], [0], [0], [0, 0, 1, 0], [], []>, transpose_lhs_hint = false} : vector<512x256xf32>, vector<8x256xf32>, vector<512x8xf32> -> vector<512x8xf32>
    %add3A_65 = arith.addf %add3A_43, %dot_general3A_64 : vector<512x8xf32>
    %lt3A = arith.constant 5 : i32
    %lt3A_66 = vector.broadcast %lt3A : i32 to vector<1x8xi32>
    %lt3A_67 = arith.cmpi slt, %iota3A, %lt3A_66 : vector<1x8xi32>
    %jit3A = arith.constant -1.000000e+30 : f32
    %broadcast_in_dim3A = vector.shape_cast %lt3A_67 : vector<1x8xi1> to vector<1x8xi1>
    %broadcast_in_dim3A_68 = vector.broadcast %broadcast_in_dim3A : vector<1x8xi1> to vector<512x8xi1>
    %broadcast_in_dim3A_69 = vector.broadcast %jit3A : f32 to vector<512x8xf32>
    %select_n3A = arith.select %broadcast_in_dim3A_68, %add3A_65, %broadcast_in_dim3A_69 : vector<512x8xi1>, vector<512x8xf32>
    %reduce_max3A = arith.constant dense<0xFF800000> : vector<512xf32>
    %reduce_max3A_70 = vector.multi_reduction <maximumf>, %select_n3A, %reduce_max3A [1] : vector<512x8xf32> to vector<512xf32>
    %broadcast_in_dim3A_71 = vector.shape_cast %reduce_max3A_70 : vector<512xf32> to vector<512x1xf32>
    %sub3A = vector.broadcast %broadcast_in_dim3A_71 : vector<512x1xf32> to vector<512x8xf32>
    %sub3A_72 = arith.subf %select_n3A, %sub3A : vector<512x8xf32>
    %exp3A = math.exp %sub3A_72 : vector<512x8xf32>
    %reduce_sum3A = arith.constant dense<0.000000e+00> : vector<512xf32>
    %reduce_sum3A_73 = vector.multi_reduction <add>, %exp3A, %reduce_sum3A [1] : vector<512x8xf32> to vector<512xf32>
    %broadcast_in_dim3A_74 = vector.shape_cast %reduce_sum3A_73 : vector<512xf32> to vector<512x1xf32>
    %div3A = vector.broadcast %broadcast_in_dim3A_74 : vector<512x1xf32> to vector<512x8xf32>
    %div3A_75 = arith.divf %exp3A, %div3A : vector<512x8xf32>
    %dot_general3A_76 = arith.constant dense<0.000000e+00> : vector<512x1024xf32>
    %dot_general3A_77 = tpu.matmul %mul3A_62, %slice3A, %dot_general3A_76 {dimension_numbers = #tpu.dot_dimension_numbers<[1], [1], [0], [0], [0, 0, 1, 0], [], []>, transpose_lhs_hint = false} : vector<512x256xf32>, vector<1024x256xf32>, vector<512x1024xf32> -> vector<512x1024xf32>
    %add3A_78 = arith.addf %add3A_36, %dot_general3A_77 : vector<512x1024xf32>
    %dot_general3A_79 = arith.constant dense<0.000000e+00> : vector<512x1024xf32>
    %dot_general3A_80 = tpu.matmul %div3A_75, %get3A_6, %dot_general3A_79 {dimension_numbers = #tpu.dot_dimension_numbers<[1], [0], [0], [1], [0, 0, 1, 1], [], []>, transpose_lhs_hint = false} : vector<512x8xf32>, vector<8x1024xf32>, vector<512x1024xf32> -> vector<512x1024xf32>
    %add3A_81 = arith.addf %add3A_78, %dot_general3A_80 : vector<512x1024xf32>
    %slice3A_82 = vector.extract_strided_slice %add3A_81 {offsets = [0, 0], sizes = [512, 256], strides = [1, 1]} : vector<512x1024xf32> to vector<512x256xf32>
    %tanh3A_83 = math.tanh %slice3A_82 : vector<512x256xf32>
    %mul3A_84 = arith.constant 5.000000e-01 : f32
    %mul3A_85 = vector.broadcast %mul3A_84 : f32 to vector<512x256xf32>
    %mul3A_86 = arith.mulf %mul3A_85, %tanh3A_83 : vector<512x256xf32>
    %add3A_87 = arith.constant 5.000000e-01 : f32
    %add3A_88 = vector.broadcast %add3A_87 : f32 to vector<512x256xf32>
    %add3A_89 = arith.addf %add3A_88, %mul3A_86 : vector<512x256xf32>
    %slice3A_90 = vector.extract_strided_slice %add3A_81 {offsets = [0, 512], sizes = [512, 256], strides = [1, 1]} : vector<512x1024xf32> to vector<512x256xf32>
    %tanh3A_91 = math.tanh %slice3A_90 : vector<512x256xf32>
    %slice3A_92 = vector.extract_strided_slice %add3A_81 {offsets = [0, 256], sizes = [512, 256], strides = [1, 1]} : vector<512x1024xf32> to vector<512x256xf32>
    %tanh3A_93 = math.tanh %slice3A_92 : vector<512x256xf32>
    %mul3A_94 = arith.constant 5.000000e-01 : f32
    %mul3A_95 = vector.broadcast %mul3A_94 : f32 to vector<512x256xf32>
    %mul3A_96 = arith.mulf %mul3A_95, %tanh3A_93 : vector<512x256xf32>
    %add3A_97 = arith.constant 5.000000e-01 : f32
    %add3A_98 = vector.broadcast %add3A_97 : f32 to vector<512x256xf32>
    %add3A_99 = arith.addf %add3A_98, %mul3A_96 : vector<512x256xf32>
    %mul3A_100 = arith.mulf %add3A_99, %mul3A_52 : vector<512x256xf32>
    %mul3A_101 = arith.mulf %add3A_89, %tanh3A_91 : vector<512x256xf32>
    %add3A_102 = arith.addf %mul3A_100, %mul3A_101 : vector<512x256xf32>
    %slice3A_103 = vector.extract_strided_slice %add3A_81 {offsets = [0, 768], sizes = [512, 256], strides = [1, 1]} : vector<512x1024xf32> to vector<512x256xf32>
    %tanh3A_104 = math.tanh %slice3A_103 : vector<512x256xf32>
    %mul3A_105 = arith.constant 5.000000e-01 : f32
    %mul3A_106 = vector.broadcast %mul3A_105 : f32 to vector<512x256xf32>
    %mul3A_107 = arith.mulf %mul3A_106, %tanh3A_104 : vector<512x256xf32>
    %add3A_108 = arith.constant 5.000000e-01 : f32
    %add3A_109 = vector.broadcast %add3A_108 : f32 to vector<512x256xf32>
    %add3A_110 = arith.addf %add3A_109, %mul3A_107 : vector<512x256xf32>
    %tanh3A_111 = math.tanh %add3A_102 : vector<512x256xf32>
    %mul3A_112 = arith.mulf %add3A_110, %tanh3A_111 : vector<512x256xf32>
    %dot_general3A_113 = arith.constant dense<0.000000e+00> : vector<512x8xf32>
    %dot_general3A_114 = tpu.matmul %mul3A_112, %get3A_3, %dot_general3A_113 {dimension_numbers = #tpu.dot_dimension_numbers<[1], [1], [0], [0], [0, 0, 1, 0], [], []>, transpose_lhs_hint = false} : vector<512x256xf32>, vector<8x256xf32>, vector<512x8xf32> -> vector<512x8xf32>
    %add3A_115 = arith.addf %add3A_43, %dot_general3A_114 : vector<512x8xf32>
    %lt3A_116 = arith.constant 5 : i32
    %lt3A_117 = vector.broadcast %lt3A_116 : i32 to vector<1x8xi32>
    %lt3A_118 = arith.cmpi slt, %iota3A, %lt3A_117 : vector<1x8xi32>
    %jit3A_119 = arith.constant -1.000000e+30 : f32
    %broadcast_in_dim3A_120 = vector.shape_cast %lt3A_118 : vector<1x8xi1> to vector<1x8xi1>
    %broadcast_in_dim3A_121 = vector.broadcast %broadcast_in_dim3A_120 : vector<1x8xi1> to vector<512x8xi1>
    %broadcast_in_dim3A_122 = vector.broadcast %jit3A_119 : f32 to vector<512x8xf32>
    %select_n3A_123 = arith.select %broadcast_in_dim3A_121, %add3A_115, %broadcast_in_dim3A_122 : vector<512x8xi1>, vector<512x8xf32>
    %reduce_max3A_124 = arith.constant dense<0xFF800000> : vector<512xf32>
    %reduce_max3A_125 = vector.multi_reduction <maximumf>, %select_n3A_123, %reduce_max3A_124 [1] : vector<512x8xf32> to vector<512xf32>
    %broadcast_in_dim3A_126 = vector.shape_cast %reduce_max3A_125 : vector<512xf32> to vector<512x1xf32>
    %sub3A_127 = vector.broadcast %broadcast_in_dim3A_126 : vector<512x1xf32> to vector<512x8xf32>
    %sub3A_128 = arith.subf %select_n3A_123, %sub3A_127 : vector<512x8xf32>
    %exp3A_129 = math.exp %sub3A_128 : vector<512x8xf32>
    %reduce_sum3A_130 = arith.constant dense<0.000000e+00> : vector<512xf32>
    %reduce_sum3A_131 = vector.multi_reduction <add>, %exp3A_129, %reduce_sum3A_130 [1] : vector<512x8xf32> to vector<512xf32>
    %broadcast_in_dim3A_132 = vector.shape_cast %reduce_sum3A_131 : vector<512xf32> to vector<512x1xf32>
    %div3A_133 = vector.broadcast %broadcast_in_dim3A_132 : vector<512x1xf32> to vector<512x8xf32>
    %div3A_134 = arith.divf %exp3A_129, %div3A_133 : vector<512x8xf32>
    %dot_general3A_135 = arith.constant dense<0.000000e+00> : vector<512x1024xf32>
    %dot_general3A_136 = tpu.matmul %mul3A_112, %slice3A, %dot_general3A_135 {dimension_numbers = #tpu.dot_dimension_numbers<[1], [1], [0], [0], [0, 0, 1, 0], [], []>, transpose_lhs_hint = false} : vector<512x256xf32>, vector<1024x256xf32>, vector<512x1024xf32> -> vector<512x1024xf32>
    %add3A_137 = arith.addf %add3A_36, %dot_general3A_136 : vector<512x1024xf32>
    %dot_general3A_138 = arith.constant dense<0.000000e+00> : vector<512x1024xf32>
    %dot_general3A_139 = tpu.matmul %div3A_134, %get3A_6, %dot_general3A_138 {dimension_numbers = #tpu.dot_dimension_numbers<[1], [0], [0], [1], [0, 0, 1, 1], [], []>, transpose_lhs_hint = false} : vector<512x8xf32>, vector<8x1024xf32>, vector<512x1024xf32> -> vector<512x1024xf32>
    %add3A_140 = arith.addf %add3A_137, %dot_general3A_139 : vector<512x1024xf32>
    %slice3A_141 = vector.extract_strided_slice %add3A_140 {offsets = [0, 0], sizes = [512, 256], strides = [1, 1]} : vector<512x1024xf32> to vector<512x256xf32>
    %tanh3A_142 = math.tanh %slice3A_141 : vector<512x256xf32>
    %mul3A_143 = arith.constant 5.000000e-01 : f32
    %mul3A_144 = vector.broadcast %mul3A_143 : f32 to vector<512x256xf32>
    %mul3A_145 = arith.mulf %mul3A_144, %tanh3A_142 : vector<512x256xf32>
    %add3A_146 = arith.constant 5.000000e-01 : f32
    %add3A_147 = vector.broadcast %add3A_146 : f32 to vector<512x256xf32>
    %add3A_148 = arith.addf %add3A_147, %mul3A_145 : vector<512x256xf32>
    %slice3A_149 = vector.extract_strided_slice %add3A_140 {offsets = [0, 512], sizes = [512, 256], strides = [1, 1]} : vector<512x1024xf32> to vector<512x256xf32>
    %tanh3A_150 = math.tanh %slice3A_149 : vector<512x256xf32>
    %slice3A_151 = vector.extract_strided_slice %add3A_140 {offsets = [0, 256], sizes = [512, 256], strides = [1, 1]} : vector<512x1024xf32> to vector<512x256xf32>
    %tanh3A_152 = math.tanh %slice3A_151 : vector<512x256xf32>
    %mul3A_153 = arith.constant 5.000000e-01 : f32
    %mul3A_154 = vector.broadcast %mul3A_153 : f32 to vector<512x256xf32>
    %mul3A_155 = arith.mulf %mul3A_154, %tanh3A_152 : vector<512x256xf32>
    %add3A_156 = arith.constant 5.000000e-01 : f32
    %add3A_157 = vector.broadcast %add3A_156 : f32 to vector<512x256xf32>
    %add3A_158 = arith.addf %add3A_157, %mul3A_155 : vector<512x256xf32>
    %mul3A_159 = arith.mulf %add3A_158, %add3A_102 : vector<512x256xf32>
    %mul3A_160 = arith.mulf %add3A_148, %tanh3A_150 : vector<512x256xf32>
    %add3A_161 = arith.addf %mul3A_159, %mul3A_160 : vector<512x256xf32>
    %slice3A_162 = vector.extract_strided_slice %add3A_140 {offsets = [0, 768], sizes = [512, 256], strides = [1, 1]} : vector<512x1024xf32> to vector<512x256xf32>
    %tanh3A_163 = math.tanh %slice3A_162 : vector<512x256xf32>
    %mul3A_164 = arith.constant 5.000000e-01 : f32
    %mul3A_165 = vector.broadcast %mul3A_164 : f32 to vector<512x256xf32>
    %mul3A_166 = arith.mulf %mul3A_165, %tanh3A_163 : vector<512x256xf32>
    %add3A_167 = arith.constant 5.000000e-01 : f32
    %add3A_168 = vector.broadcast %add3A_167 : f32 to vector<512x256xf32>
    %add3A_169 = arith.addf %add3A_168, %mul3A_166 : vector<512x256xf32>
    %tanh3A_170 = math.tanh %add3A_161 : vector<512x256xf32>
    %mul3A_171 = arith.mulf %add3A_169, %tanh3A_170 : vector<512x256xf32>
    %dot_general3A_172 = arith.constant dense<0.000000e+00> : vector<512x8xf32>
    %dot_general3A_173 = tpu.matmul %mul3A_171, %get3A_3, %dot_general3A_172 {dimension_numbers = #tpu.dot_dimension_numbers<[1], [1], [0], [0], [0, 0, 1, 0], [], []>, transpose_lhs_hint = false} : vector<512x256xf32>, vector<8x256xf32>, vector<512x8xf32> -> vector<512x8xf32>
    %add3A_174 = arith.addf %add3A_43, %dot_general3A_173 : vector<512x8xf32>
    %lt3A_175 = arith.constant 5 : i32
    %lt3A_176 = vector.broadcast %lt3A_175 : i32 to vector<1x8xi32>
    %lt3A_177 = arith.cmpi slt, %iota3A, %lt3A_176 : vector<1x8xi32>
    %jit3A_178 = arith.constant -1.000000e+30 : f32
    %broadcast_in_dim3A_179 = vector.shape_cast %lt3A_177 : vector<1x8xi1> to vector<1x8xi1>
    %broadcast_in_dim3A_180 = vector.broadcast %broadcast_in_dim3A_179 : vector<1x8xi1> to vector<512x8xi1>
    %broadcast_in_dim3A_181 = vector.broadcast %jit3A_178 : f32 to vector<512x8xf32>
    %select_n3A_182 = arith.select %broadcast_in_dim3A_180, %add3A_174, %broadcast_in_dim3A_181 : vector<512x8xi1>, vector<512x8xf32>
    %reduce_max3A_183 = arith.constant dense<0xFF800000> : vector<512xf32>
    %reduce_max3A_184 = vector.multi_reduction <maximumf>, %select_n3A_182, %reduce_max3A_183 [1] : vector<512x8xf32> to vector<512xf32>
    %broadcast_in_dim3A_185 = vector.shape_cast %reduce_max3A_184 : vector<512xf32> to vector<512x1xf32>
    %sub3A_186 = vector.broadcast %broadcast_in_dim3A_185 : vector<512x1xf32> to vector<512x8xf32>
    %sub3A_187 = arith.subf %select_n3A_182, %sub3A_186 : vector<512x8xf32>
    %exp3A_188 = math.exp %sub3A_187 : vector<512x8xf32>
    %reduce_sum3A_189 = arith.constant dense<0.000000e+00> : vector<512xf32>
    %reduce_sum3A_190 = vector.multi_reduction <add>, %exp3A_188, %reduce_sum3A_189 [1] : vector<512x8xf32> to vector<512xf32>
    %broadcast_in_dim3A_191 = vector.shape_cast %reduce_sum3A_190 : vector<512xf32> to vector<512x1xf32>
    %div3A_192 = vector.broadcast %broadcast_in_dim3A_191 : vector<512x1xf32> to vector<512x8xf32>
    %div3A_193 = arith.divf %exp3A_188, %div3A_192 : vector<512x8xf32>
    %dot_general3A_194 = arith.constant dense<0.000000e+00> : vector<512x1024xf32>
    %dot_general3A_195 = tpu.matmul %mul3A_171, %slice3A, %dot_general3A_194 {dimension_numbers = #tpu.dot_dimension_numbers<[1], [1], [0], [0], [0, 0, 1, 0], [], []>, transpose_lhs_hint = false} : vector<512x256xf32>, vector<1024x256xf32>, vector<512x1024xf32> -> vector<512x1024xf32>
    %add3A_196 = arith.addf %add3A_36, %dot_general3A_195 : vector<512x1024xf32>
    %dot_general3A_197 = arith.constant dense<0.000000e+00> : vector<512x1024xf32>
    %dot_general3A_198 = tpu.matmul %div3A_193, %get3A_6, %dot_general3A_197 {dimension_numbers = #tpu.dot_dimension_numbers<[1], [0], [0], [1], [0, 0, 1, 1], [], []>, transpose_lhs_hint = false} : vector<512x8xf32>, vector<8x1024xf32>, vector<512x1024xf32> -> vector<512x1024xf32>
    %add3A_199 = arith.addf %add3A_196, %dot_general3A_198 : vector<512x1024xf32>
    %slice3A_200 = vector.extract_strided_slice %add3A_199 {offsets = [0, 0], sizes = [512, 256], strides = [1, 1]} : vector<512x1024xf32> to vector<512x256xf32>
    %tanh3A_201 = math.tanh %slice3A_200 : vector<512x256xf32>
    %mul3A_202 = arith.constant 5.000000e-01 : f32
    %mul3A_203 = vector.broadcast %mul3A_202 : f32 to vector<512x256xf32>
    %mul3A_204 = arith.mulf %mul3A_203, %tanh3A_201 : vector<512x256xf32>
    %add3A_205 = arith.constant 5.000000e-01 : f32
    %add3A_206 = vector.broadcast %add3A_205 : f32 to vector<512x256xf32>
    %add3A_207 = arith.addf %add3A_206, %mul3A_204 : vector<512x256xf32>
    %slice3A_208 = vector.extract_strided_slice %add3A_199 {offsets = [0, 512], sizes = [512, 256], strides = [1, 1]} : vector<512x1024xf32> to vector<512x256xf32>
    %tanh3A_209 = math.tanh %slice3A_208 : vector<512x256xf32>
    %slice3A_210 = vector.extract_strided_slice %add3A_199 {offsets = [0, 256], sizes = [512, 256], strides = [1, 1]} : vector<512x1024xf32> to vector<512x256xf32>
    %tanh3A_211 = math.tanh %slice3A_210 : vector<512x256xf32>
    %mul3A_212 = arith.constant 5.000000e-01 : f32
    %mul3A_213 = vector.broadcast %mul3A_212 : f32 to vector<512x256xf32>
    %mul3A_214 = arith.mulf %mul3A_213, %tanh3A_211 : vector<512x256xf32>
    %add3A_215 = arith.constant 5.000000e-01 : f32
    %add3A_216 = vector.broadcast %add3A_215 : f32 to vector<512x256xf32>
    %add3A_217 = arith.addf %add3A_216, %mul3A_214 : vector<512x256xf32>
    %mul3A_218 = arith.mulf %add3A_217, %add3A_161 : vector<512x256xf32>
    %mul3A_219 = arith.mulf %add3A_207, %tanh3A_209 : vector<512x256xf32>
    %add3A_220 = arith.addf %mul3A_218, %mul3A_219 : vector<512x256xf32>
    %slice3A_221 = vector.extract_strided_slice %add3A_199 {offsets = [0, 768], sizes = [512, 256], strides = [1, 1]} : vector<512x1024xf32> to vector<512x256xf32>
    %tanh3A_222 = math.tanh %slice3A_221 : vector<512x256xf32>
    %mul3A_223 = arith.constant 5.000000e-01 : f32
    %mul3A_224 = vector.broadcast %mul3A_223 : f32 to vector<512x256xf32>
    %mul3A_225 = arith.mulf %mul3A_224, %tanh3A_222 : vector<512x256xf32>
    %add3A_226 = arith.constant 5.000000e-01 : f32
    %add3A_227 = vector.broadcast %add3A_226 : f32 to vector<512x256xf32>
    %add3A_228 = arith.addf %add3A_227, %mul3A_225 : vector<512x256xf32>
    %tanh3A_229 = math.tanh %add3A_220 : vector<512x256xf32>
    %mul3A_230 = arith.mulf %add3A_228, %tanh3A_229 : vector<512x256xf32>
    %dot_general3A_231 = arith.constant dense<0.000000e+00> : vector<512x8xf32>
    %dot_general3A_232 = tpu.matmul %mul3A_230, %get3A_3, %dot_general3A_231 {dimension_numbers = #tpu.dot_dimension_numbers<[1], [1], [0], [0], [0, 0, 1, 0], [], []>, transpose_lhs_hint = false} : vector<512x256xf32>, vector<8x256xf32>, vector<512x8xf32> -> vector<512x8xf32>
    %add3A_233 = arith.addf %add3A_43, %dot_general3A_232 : vector<512x8xf32>
    %slice3A_234 = vector.extract_strided_slice %add3A_233 {offsets = [0, 0], sizes = [512, 5], strides = [1, 1]} : vector<512x8xf32> to vector<512x5xf32>
    %swap3A = arith.constant 0 : index
    %swap3A_235 = arith.constant 0 : index
    %swap3A_236 = vector.load %arg13[%swap3A, %swap3A_235] : memref<1024x5xf32, #tpu.memory_space<vmem>>, vector<512x5xf32>
    tpu.vector_store %arg13[%swap3A, %swap3A_235], %slice3A_234 {strides = array<i32>} : memref<1024x5xf32, #tpu.memory_space<vmem>>, vector<512x5xf32>,
    %get3A_237 = arith.constant 512 : index
    %get3A_238 = arith.constant 0 : index
    %get3A_239 = vector.load %arg1[%get3A_237, %get3A_238] : memref<1024x128xf32, #tpu.memory_space<vmem>>, vector<512x128xf32>
    %get3A_240 = arith.constant 512 : index
    %get3A_241 = arith.constant 0 : index
    %get3A_242 = vector.load %arg2[%get3A_240, %get3A_241] : memref<1024x128xf32, #tpu.memory_space<vmem>>, vector<512x128xf32>
    %slice3A_243 = vector.extract_strided_slice %get3A_9 {offsets = [0, 0], sizes = [1024, 128], strides = [1, 1]} : vector<1024x256xf32> to vector<1024x128xf32>
    %dot_general3A_244 = arith.constant dense<0.000000e+00> : vector<512x1024xf32>
    %dot_general3A_245 = tpu.matmul %get3A_239, %slice3A_243, %dot_general3A_244 {dimension_numbers = #tpu.dot_dimension_numbers<[1], [1], [0], [0], [0, 0, 1, 0], [], []>, transpose_lhs_hint = false} : vector<512x128xf32>, vector<1024x128xf32>, vector<512x1024xf32> -> vector<512x1024xf32>
    %slice3A_246 = vector.extract_strided_slice %get3A_9 {offsets = [0, 128], sizes = [1024, 128], strides = [1, 1]} : vector<1024x256xf32> to vector<1024x128xf32>
    %dot_general3A_247 = arith.constant dense<0.000000e+00> : vector<512x1024xf32>
    %dot_general3A_248 = tpu.matmul %get3A_242, %slice3A_246, %dot_general3A_247 {dimension_numbers = #tpu.dot_dimension_numbers<[1], [1], [0], [0], [0, 0, 1, 0], [], []>, transpose_lhs_hint = false} : vector<512x128xf32>, vector<1024x128xf32>, vector<512x1024xf32> -> vector<512x1024xf32>
    %add3A_249 = arith.addf %dot_general3A_245, %dot_general3A_248 : vector<512x1024xf32>
    %get3A_250 = arith.constant 0 : index
    %get3A_251 = arith.constant 0 : index
    %get3A_252 = vector.load %arg12[%get3A_250, %get3A_251] : memref<1x1024xf32, #tpu.memory_space<vmem>>, vector<1x1024xf32>
    %add3A_253 = vector.broadcast %get3A_252 : vector<1x1024xf32> to vector<512x1024xf32>
    %add3A_254 = arith.addf %add3A_249, %add3A_253 : vector<512x1024xf32>
    %slice3A_255 = vector.extract_strided_slice %slice3A {offsets = [0, 0], sizes = [1024, 128], strides = [1, 1]} : vector<1024x256xf32> to vector<1024x128xf32>
    %dot_general3A_256 = arith.constant dense<0.000000e+00> : vector<512x1024xf32>
    %dot_general3A_257 = tpu.matmul %get3A_239, %slice3A_255, %dot_general3A_256 {dimension_numbers = #tpu.dot_dimension_numbers<[1], [1], [0], [0], [0, 0, 1, 0], [], []>, transpose_lhs_hint = false} : vector<512x128xf32>, vector<1024x128xf32>, vector<512x1024xf32> -> vector<512x1024xf32>
    %add3A_258 = arith.addf %add3A_254, %dot_general3A_257 : vector<512x1024xf32>
    %slice3A_259 = vector.extract_strided_slice %slice3A {offsets = [0, 128], sizes = [1024, 128], strides = [1, 1]} : vector<1024x256xf32> to vector<1024x128xf32>
    %dot_general3A_260 = arith.constant dense<0.000000e+00> : vector<512x1024xf32>
    %dot_general3A_261 = tpu.matmul %get3A_242, %slice3A_259, %dot_general3A_260 {dimension_numbers = #tpu.dot_dimension_numbers<[1], [1], [0], [0], [0, 0, 1, 0], [], []>, transpose_lhs_hint = false} : vector<512x128xf32>, vector<1024x128xf32>, vector<512x1024xf32> -> vector<512x1024xf32>
    %add3A_262 = arith.addf %add3A_258, %dot_general3A_261 : vector<512x1024xf32>
    %slice3A_263 = vector.extract_strided_slice %get3A_3 {offsets = [0, 0], sizes = [8, 128], strides = [1, 1]} : vector<8x256xf32> to vector<8x128xf32>
    %dot_general3A_264 = arith.constant dense<0.000000e+00> : vector<512x8xf32>
    %dot_general3A_265 = tpu.matmul %get3A_239, %slice3A_263, %dot_general3A_264 {dimension_numbers = #tpu.dot_dimension_numbers<[1], [1], [0], [0], [0, 0, 1, 0], [], []>, transpose_lhs_hint = false} : vector<512x128xf32>, vector<8x128xf32>, vector<512x8xf32> -> vector<512x8xf32>
    %slice3A_266 = vector.extract_strided_slice %get3A_3 {offsets = [0, 128], sizes = [8, 128], strides = [1, 1]} : vector<8x256xf32> to vector<8x128xf32>
    %dot_general3A_267 = arith.constant dense<0.000000e+00> : vector<512x8xf32>
    %dot_general3A_268 = tpu.matmul %get3A_242, %slice3A_266, %dot_general3A_267 {dimension_numbers = #tpu.dot_dimension_numbers<[1], [1], [0], [0], [0, 0, 1, 0], [], []>, transpose_lhs_hint = false} : vector<512x128xf32>, vector<8x128xf32>, vector<512x8xf32> -> vector<512x8xf32>
    %add3A_269 = arith.addf %dot_general3A_265, %dot_general3A_268 : vector<512x8xf32>
    %slice3A_270 = vector.extract_strided_slice %add3A_254 {offsets = [0, 0], sizes = [512, 256], strides = [1, 1]} : vector<512x1024xf32> to vector<512x256xf32>
    %tanh3A_271 = math.tanh %slice3A_270 : vector<512x256xf32>
    %mul3A_272 = arith.constant 5.000000e-01 : f32
    %mul3A_273 = vector.broadcast %mul3A_272 : f32 to vector<512x256xf32>
    %mul3A_274 = arith.mulf %mul3A_273, %tanh3A_271 : vector<512x256xf32>
    %add3A_275 = arith.constant 5.000000e-01 : f32
    %add3A_276 = vector.broadcast %add3A_275 : f32 to vector<512x256xf32>
    %add3A_277 = arith.addf %add3A_276, %mul3A_274 : vector<512x256xf32>
    %slice3A_278 = vector.extract_strided_slice %add3A_254 {offsets = [0, 512], sizes = [512, 256], strides = [1, 1]} : vector<512x1024xf32> to vector<512x256xf32>
    %tanh3A_279 = math.tanh %slice3A_278 : vector<512x256xf32>
    %mul3A_280 = arith.mulf %add3A_277, %tanh3A_279 : vector<512x256xf32>
    %slice3A_281 = vector.extract_strided_slice %add3A_254 {offsets = [0, 768], sizes = [512, 256], strides = [1, 1]} : vector<512x1024xf32> to vector<512x256xf32>
    %tanh3A_282 = math.tanh %slice3A_281 : vector<512x256xf32>
    %mul3A_283 = arith.constant 5.000000e-01 : f32
    %mul3A_284 = vector.broadcast %mul3A_283 : f32 to vector<512x256xf32>
    %mul3A_285 = arith.mulf %mul3A_284, %tanh3A_282 : vector<512x256xf32>
    %add3A_286 = arith.constant 5.000000e-01 : f32
    %add3A_287 = vector.broadcast %add3A_286 : f32 to vector<512x256xf32>
    %add3A_288 = arith.addf %add3A_287, %mul3A_285 : vector<512x256xf32>
    %tanh3A_289 = math.tanh %mul3A_280 : vector<512x256xf32>
    %mul3A_290 = arith.mulf %add3A_288, %tanh3A_289 : vector<512x256xf32>
    %dot_general3A_291 = arith.constant dense<0.000000e+00> : vector<512x8xf32>
    %dot_general3A_292 = tpu.matmul %mul3A_290, %get3A_3, %dot_general3A_291 {dimension_numbers = #tpu.dot_dimension_numbers<[1], [1], [0], [0], [0, 0, 1, 0], [], []>, transpose_lhs_hint = false} : vector<512x256xf32>, vector<8x256xf32>, vector<512x8xf32> -> vector<512x8xf32>
    %add3A_293 = arith.addf %add3A_269, %dot_general3A_292 : vector<512x8xf32>
    %lt3A_294 = arith.constant 5 : i32
    %lt3A_295 = vector.broadcast %lt3A_294 : i32 to vector<1x8xi32>
    %lt3A_296 = arith.cmpi slt, %iota3A, %lt3A_295 : vector<1x8xi32>
    %jit3A_297 = arith.constant -1.000000e+30 : f32
    %broadcast_in_dim3A_298 = vector.shape_cast %lt3A_296 : vector<1x8xi1> to vector<1x8xi1>
    %broadcast_in_dim3A_299 = vector.broadcast %broadcast_in_dim3A_298 : vector<1x8xi1> to vector<512x8xi1>
    %broadcast_in_dim3A_300 = vector.broadcast %jit3A_297 : f32 to vector<512x8xf32>
    %select_n3A_301 = arith.select %broadcast_in_dim3A_299, %add3A_293, %broadcast_in_dim3A_300 : vector<512x8xi1>, vector<512x8xf32>
    %reduce_max3A_302 = arith.constant dense<0xFF800000> : vector<512xf32>
    %reduce_max3A_303 = vector.multi_reduction <maximumf>, %select_n3A_301, %reduce_max3A_302 [1] : vector<512x8xf32> to vector<512xf32>
    %broadcast_in_dim3A_304 = vector.shape_cast %reduce_max3A_303 : vector<512xf32> to vector<512x1xf32>
    %sub3A_305 = vector.broadcast %broadcast_in_dim3A_304 : vector<512x1xf32> to vector<512x8xf32>
    %sub3A_306 = arith.subf %select_n3A_301, %sub3A_305 : vector<512x8xf32>
    %exp3A_307 = math.exp %sub3A_306 : vector<512x8xf32>
    %reduce_sum3A_308 = arith.constant dense<0.000000e+00> : vector<512xf32>
    %reduce_sum3A_309 = vector.multi_reduction <add>, %exp3A_307, %reduce_sum3A_308 [1] : vector<512x8xf32> to vector<512xf32>
    %broadcast_in_dim3A_310 = vector.shape_cast %reduce_sum3A_309 : vector<512xf32> to vector<512x1xf32>
    %div3A_311 = vector.broadcast %broadcast_in_dim3A_310 : vector<512x1xf32> to vector<512x8xf32>
    %div3A_312 = arith.divf %exp3A_307, %div3A_311 : vector<512x8xf32>
    %dot_general3A_313 = arith.constant dense<0.000000e+00> : vector<512x1024xf32>
    %dot_general3A_314 = tpu.matmul %mul3A_290, %slice3A, %dot_general3A_313 {dimension_numbers = #tpu.dot_dimension_numbers<[1], [1], [0], [0], [0, 0, 1, 0], [], []>, transpose_lhs_hint = false} : vector<512x256xf32>, vector<1024x256xf32>, vector<512x1024xf32> -> vector<512x1024xf32>
    %add3A_315 = arith.addf %add3A_262, %dot_general3A_314 : vector<512x1024xf32>
    %dot_general3A_316 = arith.constant dense<0.000000e+00> : vector<512x1024xf32>
    %dot_general3A_317 = tpu.matmul %div3A_312, %get3A_6, %dot_general3A_316 {dimension_numbers = #tpu.dot_dimension_numbers<[1], [0], [0], [1], [0, 0, 1, 1], [], []>, transpose_lhs_hint = false} : vector<512x8xf32>, vector<8x1024xf32>, vector<512x1024xf32> -> vector<512x1024xf32>
    %add3A_318 = arith.addf %add3A_315, %dot_general3A_317 : vector<512x1024xf32>
    %slice3A_319 = vector.extract_strided_slice %add3A_318 {offsets = [0, 0], sizes = [512, 256], strides = [1, 1]} : vector<512x1024xf32> to vector<512x256xf32>
    %tanh3A_320 = math.tanh %slice3A_319 : vector<512x256xf32>
    %mul3A_321 = arith.constant 5.000000e-01 : f32
    %mul3A_322 = vector.broadcast %mul3A_321 : f32 to vector<512x256xf32>
    %mul3A_323 = arith.mulf %mul3A_322, %tanh3A_320 : vector<512x256xf32>
    %add3A_324 = arith.constant 5.000000e-01 : f32
    %add3A_325 = vector.broadcast %add3A_324 : f32 to vector<512x256xf32>
    %add3A_326 = arith.addf %add3A_325, %mul3A_323 : vector<512x256xf32>
    %slice3A_327 = vector.extract_strided_slice %add3A_318 {offsets = [0, 512], sizes = [512, 256], strides = [1, 1]} : vector<512x1024xf32> to vector<512x256xf32>
    %tanh3A_328 = math.tanh %slice3A_327 : vector<512x256xf32>
    %slice3A_329 = vector.extract_strided_slice %add3A_318 {offsets = [0, 256], sizes = [512, 256], strides = [1, 1]} : vector<512x1024xf32> to vector<512x256xf32>
    %tanh3A_330 = math.tanh %slice3A_329 : vector<512x256xf32>
    %mul3A_331 = arith.constant 5.000000e-01 : f32
    %mul3A_332 = vector.broadcast %mul3A_331 : f32 to vector<512x256xf32>
    %mul3A_333 = arith.mulf %mul3A_332, %tanh3A_330 : vector<512x256xf32>
    %add3A_334 = arith.constant 5.000000e-01 : f32
    %add3A_335 = vector.broadcast %add3A_334 : f32 to vector<512x256xf32>
    %add3A_336 = arith.addf %add3A_335, %mul3A_333 : vector<512x256xf32>
    %mul3A_337 = arith.mulf %add3A_336, %mul3A_280 : vector<512x256xf32>
    %mul3A_338 = arith.mulf %add3A_326, %tanh3A_328 : vector<512x256xf32>
    %add3A_339 = arith.addf %mul3A_337, %mul3A_338 : vector<512x256xf32>
    %slice3A_340 = vector.extract_strided_slice %add3A_318 {offsets = [0, 768], sizes = [512, 256], strides = [1, 1]} : vector<512x1024xf32> to vector<512x256xf32>
    %tanh3A_341 = math.tanh %slice3A_340 : vector<512x256xf32>
    %mul3A_342 = arith.constant 5.000000e-01 : f32
    %mul3A_343 = vector.broadcast %mul3A_342 : f32 to vector<512x256xf32>
    %mul3A_344 = arith.mulf %mul3A_343, %tanh3A_341 : vector<512x256xf32>
    %add3A_345 = arith.constant 5.000000e-01 : f32
    %add3A_346 = vector.broadcast %add3A_345 : f32 to vector<512x256xf32>
    %add3A_347 = arith.addf %add3A_346, %mul3A_344 : vector<512x256xf32>
    %tanh3A_348 = math.tanh %add3A_339 : vector<512x256xf32>
    %mul3A_349 = arith.mulf %add3A_347, %tanh3A_348 : vector<512x256xf32>
    %dot_general3A_350 = arith.constant dense<0.000000e+00> : vector<512x8xf32>
    %dot_general3A_351 = tpu.matmul %mul3A_349, %get3A_3, %dot_general3A_350 {dimension_numbers = #tpu.dot_dimension_numbers<[1], [1], [0], [0], [0, 0, 1, 0], [], []>, transpose_lhs_hint = false} : vector<512x256xf32>, vector<8x256xf32>, vector<512x8xf32> -> vector<512x8xf32>
    %add3A_352 = arith.addf %add3A_269, %dot_general3A_351 : vector<512x8xf32>
    %lt3A_353 = arith.constant 5 : i32
    %lt3A_354 = vector.broadcast %lt3A_353 : i32 to vector<1x8xi32>
    %lt3A_355 = arith.cmpi slt, %iota3A, %lt3A_354 : vector<1x8xi32>
    %jit3A_356 = arith.constant -1.000000e+30 : f32
    %broadcast_in_dim3A_357 = vector.shape_cast %lt3A_355 : vector<1x8xi1> to vector<1x8xi1>
    %broadcast_in_dim3A_358 = vector.broadcast %broadcast_in_dim3A_357 : vector<1x8xi1> to vector<512x8xi1>
    %broadcast_in_dim3A_359 = vector.broadcast %jit3A_356 : f32 to vector<512x8xf32>
    %select_n3A_360 = arith.select %broadcast_in_dim3A_358, %add3A_352, %broadcast_in_dim3A_359 : vector<512x8xi1>, vector<512x8xf32>
    %reduce_max3A_361 = arith.constant dense<0xFF800000> : vector<512xf32>
    %reduce_max3A_362 = vector.multi_reduction <maximumf>, %select_n3A_360, %reduce_max3A_361 [1] : vector<512x8xf32> to vector<512xf32>
    %broadcast_in_dim3A_363 = vector.shape_cast %reduce_max3A_362 : vector<512xf32> to vector<512x1xf32>
    %sub3A_364 = vector.broadcast %broadcast_in_dim3A_363 : vector<512x1xf32> to vector<512x8xf32>
    %sub3A_365 = arith.subf %select_n3A_360, %sub3A_364 : vector<512x8xf32>
    %exp3A_366 = math.exp %sub3A_365 : vector<512x8xf32>
    %reduce_sum3A_367 = arith.constant dense<0.000000e+00> : vector<512xf32>
    %reduce_sum3A_368 = vector.multi_reduction <add>, %exp3A_366, %reduce_sum3A_367 [1] : vector<512x8xf32> to vector<512xf32>
    %broadcast_in_dim3A_369 = vector.shape_cast %reduce_sum3A_368 : vector<512xf32> to vector<512x1xf32>
    %div3A_370 = vector.broadcast %broadcast_in_dim3A_369 : vector<512x1xf32> to vector<512x8xf32>
    %div3A_371 = arith.divf %exp3A_366, %div3A_370 : vector<512x8xf32>
    %dot_general3A_372 = arith.constant dense<0.000000e+00> : vector<512x1024xf32>
    %dot_general3A_373 = tpu.matmul %mul3A_349, %slice3A, %dot_general3A_372 {dimension_numbers = #tpu.dot_dimension_numbers<[1], [1], [0], [0], [0, 0, 1, 0], [], []>, transpose_lhs_hint = false} : vector<512x256xf32>, vector<1024x256xf32>, vector<512x1024xf32> -> vector<512x1024xf32>
    %add3A_374 = arith.addf %add3A_262, %dot_general3A_373 : vector<512x1024xf32>
    %dot_general3A_375 = arith.constant dense<0.000000e+00> : vector<512x1024xf32>
    %dot_general3A_376 = tpu.matmul %div3A_371, %get3A_6, %dot_general3A_375 {dimension_numbers = #tpu.dot_dimension_numbers<[1], [0], [0], [1], [0, 0, 1, 1], [], []>, transpose_lhs_hint = false} : vector<512x8xf32>, vector<8x1024xf32>, vector<512x1024xf32> -> vector<512x1024xf32>
    %add3A_377 = arith.addf %add3A_374, %dot_general3A_376 : vector<512x1024xf32>
    %slice3A_378 = vector.extract_strided_slice %add3A_377 {offsets = [0, 0], sizes = [512, 256], strides = [1, 1]} : vector<512x1024xf32> to vector<512x256xf32>
    %tanh3A_379 = math.tanh %slice3A_378 : vector<512x256xf32>
    %mul3A_380 = arith.constant 5.000000e-01 : f32
    %mul3A_381 = vector.broadcast %mul3A_380 : f32 to vector<512x256xf32>
    %mul3A_382 = arith.mulf %mul3A_381, %tanh3A_379 : vector<512x256xf32>
    %add3A_383 = arith.constant 5.000000e-01 : f32
    %add3A_384 = vector.broadcast %add3A_383 : f32 to vector<512x256xf32>
    %add3A_385 = arith.addf %add3A_384, %mul3A_382 : vector<512x256xf32>
    %slice3A_386 = vector.extract_strided_slice %add3A_377 {offsets = [0, 512], sizes = [512, 256], strides = [1, 1]} : vector<512x1024xf32> to vector<512x256xf32>
    %tanh3A_387 = math.tanh %slice3A_386 : vector<512x256xf32>
    %slice3A_388 = vector.extract_strided_slice %add3A_377 {offsets = [0, 256], sizes = [512, 256], strides = [1, 1]} : vector<512x1024xf32> to vector<512x256xf32>
    %tanh3A_389 = math.tanh %slice3A_388 : vector<512x256xf32>
    %mul3A_390 = arith.constant 5.000000e-01 : f32
    %mul3A_391 = vector.broadcast %mul3A_390 : f32 to vector<512x256xf32>
    %mul3A_392 = arith.mulf %mul3A_391, %tanh3A_389 : vector<512x256xf32>
    %add3A_393 = arith.constant 5.000000e-01 : f32
    %add3A_394 = vector.broadcast %add3A_393 : f32 to vector<512x256xf32>
    %add3A_395 = arith.addf %add3A_394, %mul3A_392 : vector<512x256xf32>
    %mul3A_396 = arith.mulf %add3A_395, %add3A_339 : vector<512x256xf32>
    %mul3A_397 = arith.mulf %add3A_385, %tanh3A_387 : vector<512x256xf32>
    %add3A_398 = arith.addf %mul3A_396, %mul3A_397 : vector<512x256xf32>
    %slice3A_399 = vector.extract_strided_slice %add3A_377 {offsets = [0, 768], sizes = [512, 256], strides = [1, 1]} : vector<512x1024xf32> to vector<512x256xf32>
    %tanh3A_400 = math.tanh %slice3A_399 : vector<512x256xf32>
    %mul3A_401 = arith.constant 5.000000e-01 : f32
    %mul3A_402 = vector.broadcast %mul3A_401 : f32 to vector<512x256xf32>
    %mul3A_403 = arith.mulf %mul3A_402, %tanh3A_400 : vector<512x256xf32>
    %add3A_404 = arith.constant 5.000000e-01 : f32
    %add3A_405 = vector.broadcast %add3A_404 : f32 to vector<512x256xf32>
    %add3A_406 = arith.addf %add3A_405, %mul3A_403 : vector<512x256xf32>
    %tanh3A_407 = math.tanh %add3A_398 : vector<512x256xf32>
    %mul3A_408 = arith.mulf %add3A_406, %tanh3A_407 : vector<512x256xf32>
    %dot_general3A_409 = arith.constant dense<0.000000e+00> : vector<512x8xf32>
    %dot_general3A_410 = tpu.matmul %mul3A_408, %get3A_3, %dot_general3A_409 {dimension_numbers = #tpu.dot_dimension_numbers<[1], [1], [0], [0], [0, 0, 1, 0], [], []>, transpose_lhs_hint = false} : vector<512x256xf32>, vector<8x256xf32>, vector<512x8xf32> -> vector<512x8xf32>
    %add3A_411 = arith.addf %add3A_269, %dot_general3A_410 : vector<512x8xf32>
    %lt3A_412 = arith.constant 5 : i32
    %lt3A_413 = vector.broadcast %lt3A_412 : i32 to vector<1x8xi32>
    %lt3A_414 = arith.cmpi slt, %iota3A, %lt3A_413 : vector<1x8xi32>
    %jit3A_415 = arith.constant -1.000000e+30 : f32
    %broadcast_in_dim3A_416 = vector.shape_cast %lt3A_414 : vector<1x8xi1> to vector<1x8xi1>
    %broadcast_in_dim3A_417 = vector.broadcast %broadcast_in_dim3A_416 : vector<1x8xi1> to vector<512x8xi1>
    %broadcast_in_dim3A_418 = vector.broadcast %jit3A_415 : f32 to vector<512x8xf32>
    %select_n3A_419 = arith.select %broadcast_in_dim3A_417, %add3A_411, %broadcast_in_dim3A_418 : vector<512x8xi1>, vector<512x8xf32>
    %reduce_max3A_420 = arith.constant dense<0xFF800000> : vector<512xf32>
    %reduce_max3A_421 = vector.multi_reduction <maximumf>, %select_n3A_419, %reduce_max3A_420 [1] : vector<512x8xf32> to vector<512xf32>
    %broadcast_in_dim3A_422 = vector.shape_cast %reduce_max3A_421 : vector<512xf32> to vector<512x1xf32>
    %sub3A_423 = vector.broadcast %broadcast_in_dim3A_422 : vector<512x1xf32> to vector<512x8xf32>
    %sub3A_424 = arith.subf %select_n3A_419, %sub3A_423 : vector<512x8xf32>
    %exp3A_425 = math.exp %sub3A_424 : vector<512x8xf32>
    %reduce_sum3A_426 = arith.constant dense<0.000000e+00> : vector<512xf32>
    %reduce_sum3A_427 = vector.multi_reduction <add>, %exp3A_425, %reduce_sum3A_426 [1] : vector<512x8xf32> to vector<512xf32>
    %broadcast_in_dim3A_428 = vector.shape_cast %reduce_sum3A_427 : vector<512xf32> to vector<512x1xf32>
    %div3A_429 = vector.broadcast %broadcast_in_dim3A_428 : vector<512x1xf32> to vector<512x8xf32>
    %div3A_430 = arith.divf %exp3A_425, %div3A_429 : vector<512x8xf32>
    %dot_general3A_431 = arith.constant dense<0.000000e+00> : vector<512x1024xf32>
    %dot_general3A_432 = tpu.matmul %mul3A_408, %slice3A, %dot_general3A_431 {dimension_numbers = #tpu.dot_dimension_numbers<[1], [1], [0], [0], [0, 0, 1, 0], [], []>, transpose_lhs_hint = false} : vector<512x256xf32>, vector<1024x256xf32>, vector<512x1024xf32> -> vector<512x1024xf32>
    %add3A_433 = arith.addf %add3A_262, %dot_general3A_432 : vector<512x1024xf32>
    %dot_general3A_434 = arith.constant dense<0.000000e+00> : vector<512x1024xf32>
    %dot_general3A_435 = tpu.matmul %div3A_430, %get3A_6, %dot_general3A_434 {dimension_numbers = #tpu.dot_dimension_numbers<[1], [0], [0], [1], [0, 0, 1, 1], [], []>, transpose_lhs_hint = false} : vector<512x8xf32>, vector<8x1024xf32>, vector<512x1024xf32> -> vector<512x1024xf32>
    %add3A_436 = arith.addf %add3A_433, %dot_general3A_435 : vector<512x1024xf32>
    %slice3A_437 = vector.extract_strided_slice %add3A_436 {offsets = [0, 0], sizes = [512, 256], strides = [1, 1]} : vector<512x1024xf32> to vector<512x256xf32>
    %tanh3A_438 = math.tanh %slice3A_437 : vector<512x256xf32>
    %mul3A_439 = arith.constant 5.000000e-01 : f32
    %mul3A_440 = vector.broadcast %mul3A_439 : f32 to vector<512x256xf32>
    %mul3A_441 = arith.mulf %mul3A_440, %tanh3A_438 : vector<512x256xf32>
    %add3A_442 = arith.constant 5.000000e-01 : f32
    %add3A_443 = vector.broadcast %add3A_442 : f32 to vector<512x256xf32>
    %add3A_444 = arith.addf %add3A_443, %mul3A_441 : vector<512x256xf32>
    %slice3A_445 = vector.extract_strided_slice %add3A_436 {offsets = [0, 512], sizes = [512, 256], strides = [1, 1]} : vector<512x1024xf32> to vector<512x256xf32>
    %tanh3A_446 = math.tanh %slice3A_445 : vector<512x256xf32>
    %slice3A_447 = vector.extract_strided_slice %add3A_436 {offsets = [0, 256], sizes = [512, 256], strides = [1, 1]} : vector<512x1024xf32> to vector<512x256xf32>
    %tanh3A_448 = math.tanh %slice3A_447 : vector<512x256xf32>
    %mul3A_449 = arith.constant 5.000000e-01 : f32
    %mul3A_450 = vector.broadcast %mul3A_449 : f32 to vector<512x256xf32>
    %mul3A_451 = arith.mulf %mul3A_450, %tanh3A_448 : vector<512x256xf32>
    %add3A_452 = arith.constant 5.000000e-01 : f32
    %add3A_453 = vector.broadcast %add3A_452 : f32 to vector<512x256xf32>
    %add3A_454 = arith.addf %add3A_453, %mul3A_451 : vector<512x256xf32>
    %mul3A_455 = arith.mulf %add3A_454, %add3A_398 : vector<512x256xf32>
    %mul3A_456 = arith.mulf %add3A_444, %tanh3A_446 : vector<512x256xf32>
    %add3A_457 = arith.addf %mul3A_455, %mul3A_456 : vector<512x256xf32>
    %slice3A_458 = vector.extract_strided_slice %add3A_436 {offsets = [0, 768], sizes = [512, 256], strides = [1, 1]} : vector<512x1024xf32> to vector<512x256xf32>
    %tanh3A_459 = math.tanh %slice3A_458 : vector<512x256xf32>
    %mul3A_460 = arith.constant 5.000000e-01 : f32
    %mul3A_461 = vector.broadcast %mul3A_460 : f32 to vector<512x256xf32>
    %mul3A_462 = arith.mulf %mul3A_461, %tanh3A_459 : vector<512x256xf32>
    %add3A_463 = arith.constant 5.000000e-01 : f32
    %add3A_464 = vector.broadcast %add3A_463 : f32 to vector<512x256xf32>
    %add3A_465 = arith.addf %add3A_464, %mul3A_462 : vector<512x256xf32>
    %tanh3A_466 = math.tanh %add3A_457 : vector<512x256xf32>
    %mul3A_467 = arith.mulf %add3A_465, %tanh3A_466 : vector<512x256xf32>
    %dot_general3A_468 = arith.constant dense<0.000000e+00> : vector<512x8xf32>
    %dot_general3A_469 = tpu.matmul %mul3A_467, %get3A_3, %dot_general3A_468 {dimension_numbers = #tpu.dot_dimension_numbers<[1], [1], [0], [0], [0, 0, 1, 0], [], []>, transpose_lhs_hint = false} : vector<512x256xf32>, vector<8x256xf32>, vector<512x8xf32> -> vector<512x8xf32>
    %add3A_470 = arith.addf %add3A_269, %dot_general3A_469 : vector<512x8xf32>
    %slice3A_471 = vector.extract_strided_slice %add3A_470 {offsets = [0, 0], sizes = [512, 5], strides = [1, 1]} : vector<512x8xf32> to vector<512x5xf32>
    %swap3A_472 = arith.constant 512 : index
    %swap3A_473 = arith.constant 0 : index
    %swap3A_474 = vector.load %arg13[%swap3A_472, %swap3A_473] : memref<1024x5xf32, #tpu.memory_space<vmem>>, vector<512x5xf32>
    tpu.vector_store %arg13[%swap3A_472, %swap3A_473], %slice3A_471 {strides = array<i32>} : memref<1024x5xf32, #tpu.memory_space<vmem>>, vector<512x5xf32>,
    return
  }
  func.func @transform_0(%arg0: i32) -> (i32, i32) {
    %c0_i32 = arith.constant 0 : i32
    %c0_i32_0 = arith.constant 0 : i32
    return %arg0, %c0_i32 : i32, i32
  }
  func.func @transform_1(%arg0: i32) -> (i32, i32) {
    %c0_i32 = arith.constant 0 : i32
    %c0_i32_0 = arith.constant 0 : i32
    return %arg0, %c0_i32 : i32, i32
  }
  func.func @transform_2(%arg0: i32) -> (i32, i32) {
    %c0_i32 = arith.constant 0 : i32
    %c0_i32_0 = arith.constant 0 : i32
    %c0_i32_1 = arith.constant 0 : i32
    return %c0_i32, %c0_i32_0 : i32, i32
  }
  func.func @transform_3(%arg0: i32) -> (i32, i32) {
    %c0_i32 = arith.constant 0 : i32
    %c0_i32_0 = arith.constant 0 : i32
    %c0_i32_1 = arith.constant 0 : i32
    return %c0_i32, %c0_i32_0 : i32, i32
  }
  func.func @transform_4(%arg0: i32) -> (i32, i32) {
    %c0_i32 = arith.constant 0 : i32
    %c0_i32_0 = arith.constant 0 : i32
    %c0_i32_1 = arith.constant 0 : i32
    return %c0_i32, %c0_i32_0 : i32, i32
  }
  func.func @transform_5(%arg0: i32) -> (i32, i32) {
    %c0_i32 = arith.constant 0 : i32
    %c0_i32_0 = arith.constant 0 : i32
    %c0_i32_1 = arith.constant 0 : i32
    return %c0_i32, %c0_i32_0 : i32, i32
  }
  func.func @transform_6(%arg0: i32) -> (i32, i32) {
    %c0_i32 = arith.constant 0 : i32
    %c0_i32_0 = arith.constant 0 : i32
    %c0_i32_1 = arith.constant 0 : i32
    return %c0_i32, %c0_i32_0 : i32, i32
  }
  func.func @transform_7(%arg0: i32) -> (i32, i32) {
    %c0_i32 = arith.constant 0 : i32
    %c0_i32_0 = arith.constant 0 : i32
    %c0_i32_1 = arith.constant 0 : i32
    return %c0_i32, %c0_i32_0 : i32, i32
  }
  func.func @transform_8(%arg0: i32) -> (i32, i32) {
    %c0_i32 = arith.constant 0 : i32
    %c0_i32_0 = arith.constant 0 : i32
    %c0_i32_1 = arith.constant 0 : i32
    return %c0_i32, %c0_i32_0 : i32, i32
  }
  func.func @transform_9(%arg0: i32) -> (i32, i32) {
    %c0_i32 = arith.constant 0 : i32
    %c0_i32_0 = arith.constant 0 : i32
    %c0_i32_1 = arith.constant 0 : i32
    return %c0_i32, %c0_i32_0 : i32, i32
  }
  func.func @transform_10(%arg0: i32) -> (i32, i32) {
    %c0_i32 = arith.constant 0 : i32
    %c0_i32_0 = arith.constant 0 : i32
    %c0_i32_1 = arith.constant 0 : i32
    return %c0_i32, %c0_i32_0 : i32, i32
  }
  func.func @transform_11(%arg0: i32) -> (i32, i32) {
    %c0_i32 = arith.constant 0 : i32
    %c0_i32_0 = arith.constant 0 : i32
    %c0_i32_1 = arith.constant 0 : i32
    return %c0_i32, %c0_i32_0 : i32, i32
  }
  func.func @transform_12(%arg0: i32) -> (i32, i32) {
    %c0_i32 = arith.constant 0 : i32
    %c0_i32_0 = arith.constant 0 : i32
    return %arg0, %c0_i32 : i32, i32
  }
}

</mosaic_0001>

<sc_bundles>
// kernel: kernel.4.cloned.1.call-start
scs
__scs_entry_jumppad:
0x0: {  	(pc) =	sbr.rel $0x88, $3  }
0x1: {  	(tag) =	ssettag $0x0;
	lr =	simm.s32 $0x1  }
0x2: {  	[smem:$0x3F94] =	sst lr;
	_ =	strace $0xD0000000  }
0x3: {  	_ = 	snop  }
0x4: {  	_ = 	snop  }
0x5: {  	_ = 	snop  }
0x6: {  	_ = 	snop  }
0x7: {  	_ = 	snop  }
__scs_overlays_trampoline_lowered:
0x8: {  	[smem:$0x3FA3] =	sst s0  }
0x9: {  	[smem:$0x3FA4] =	sst s1  }
0xa: {  	[smem:$0x3FA5] =	sst s2  }
0xb: {  	[smem:$0x3FA6] =	sst s3  }
0xc: {  	[smem:$0x3FA7] =	sst s4  }
0xd: {  	[smem:$0x3FA8] =	sst s5  }
0xe: {  	[smem:$0x3FA9] =	sst s6  }
0xf: {  	[smem:$0x3FAA] =	sst s7  }
0x10: {  	[smem:$0x3FAB] =	sst s8  }
0x11: {  	[smem:$0x3FAC] =	sst s9;
	s0 =	simm.s32 @!p0 $0x0  }
0x12: {  	s1 =	sld [smem:$0x3F92];
	s0 =	simm.s32 @p0 $0x1  }
0x13: {  	[smem:$0x3FAD] =	sst s0;
	s0 =	simm.s32 @!p1 $0x0  }
0x14: {  	s2 =	sld [smem:$0x3F91];
	s0 =	simm.s32 @p1 $0x1  }
0x15: {  	[smem:$0x3FAE] =	sst s0;
	s0 =	simm.s32 @!p2 $0x0  }
0x16: {  	s3 =	sld [smem:$0x3FDB];
	s0 =	simm.s32 @p2 $0x1  }
0x17: {  	s4 =	simm.s32 $0x1BF5;
	[smem:$0x3FB0] =	sst s0  }
0x18: {  	s0 =	sld [smem:$0x3F93];
	_ =	swait.ge [sflag:s4], $0x0  }
0x19: {  	s7 =	sld [smem:$0x3F94]  }
0x1a: {  	s8 =	sadd.s32 $0xFFFFE003, lr  }
0x1b: {  	s9 =	sadd.s32 $0xFFFFFEF7, lr;
	s5 =	simm.s32 $0xFFFFFFFF;
	p2 =	slt.u32 s8, $0xFFFFF086  }
0x1c: {  	p1 =	slt.u32 s9, $0xF7A;
	s5 =	simm.s32 @!p2 $0x0  }
0x1d: {  	s5 =	simm.s32 @p1 $0x1;
	p0 =	seq.s32 s7, s2  }
0x1e: {  	s7 =	smul.u32 @!p0 $0xF7A, s2;
	p2 =	seq.s32 @!p0 s5, $0x0  }
0x1f: {  	s9 =	smul.u32 $0xF7A, s1;
	s8 =	simm.s32 @!p0 $0x1BF5;
	p2 =	por !p2, p0  }
0x20: {  	[sflag:s8] =	ssyncset.s32 @!p0 $0xFFFFF086;
	s6 =	sadd.s32 @!p0 s3, s7;
	s7 =	simm.s32 @!p0 $0x108  }
0x21: {  	s3 =	sadd.s32 s3, s9;
	s6 =	sadd.s32 @!p0 $0x88, s6;
	s7 =	simm.s32 @p2 $0x1082  }
0x22: {  	[simem:s7], [sflag:s8] =	dma.local @!p0 [hbm:s6], $0xF7A  }
0x23: {  	s9 =	sor.u32 $0xD0000000, s2;
	s6 =	simm.s32 $0x108;
	_ =	swait.ge @!p0 [sflag:s8], $0x0  }
0x24: {  	s3 =	sadd.s32 $0x88, s3;
	s6 =	simm.s32 @!p1 $0x1082;
	[sflag:s4] =	ssyncset.s32 $0xFFFFF086  }
0x25: {  	[simem:s6], [sflag:s4] =	dma.local [hbm:s3], $0xF7A  }
0x26: {  	[smem:$0x3F94] =	sst s1;
	(tag) =	ssettag s2;
	_ =	strace s9  }
0x27: {  	s1 =	sld [smem:$0x3FA4]  }
0x28: {  	s2 =	sld [smem:$0x3FA5]  }
0x29: {  	s4 =	sld [smem:$0x3FA7]  }
0x2a: {  	p0 =	seq.s32 s5, $0x0;
	s5 =	sld [smem:$0x3FA8]  }
0x2b: {  	s6 =	sld [smem:$0x3FA9]  }
0x2c: {  	s7 =	sld [smem:$0x3FAA]  }
0x2d: {  	s3 =	simm.s32 $0x108;
	s8 =	sld [smem:$0x3FAB]  }
0x2e: {  	s3 =	simm.s32 @!p0 $0x1082;
	s9 =	sld [smem:$0x3FAC]  }
0x2f: {  	lr =	sadd.s32 s0, s3;
	s0 =	sld [smem:$0x3FA3]  }
0x30: {  	s3 =	sld [smem:$0x3FA6]  }
0x31: {  	[smem:$0x3FAF] =	sst s10  }
0x32: {  	s10 =	sld [smem:$0x3FAD];
	_ =	sdelay $0x3  }
0x33: {  	p0 =	seq.s32 s10, $0x1;
	s10 =	sld [smem:$0x3FAF];
	_ =	sdelay $0x3  }
0x34: {  	[smem:$0x3FAF] =	sst s10  }
0x35: {  	s10 =	sld [smem:$0x3FAE];
	_ =	sdelay $0x3  }
0x36: {  	p1 =	seq.s32 s10, $0x1;
	s10 =	sld [smem:$0x3FAF];
	_ =	sdelay $0x3  }
0x37: {  	[smem:$0x3FAF] =	sst s10  }
0x38: {  	s10 =	sld [smem:$0x3FB0]  }
0x39: {  	_ = 	snop;
	(pc) =	sbr.ind lr, $3  }
0x3a: {  	_ = 	snop  }
0x3b: {  	_ = 	snop  }
0x3c: {  	p2 =	seq.s32 s10, $0x1;
	s10 =	sld [smem:$0x3FAF]  }
0x3d: {  	_ =	shalt  }
0x3e: {  	_ =	shalt  }
0x3f: {  	_ =	shalt  }
0x40: {  	_ =	shalt  }
0x41: {  	_ =	shalt  }
0x42: {  	_ =	shalt  }
0x43: {  	_ =	shalt  }
0x44: {  	_ =	shalt  }
0x45: {  	_ =	shalt  }
0x46: {  	_ =	shalt  }
0x47: {  	_ =	shalt  }
0x48: {  	_ =	shalt  }
0x49: {  	_ =	shalt  }
0x4a: {  	_ =	shalt  }
0x4b: {  	_ =	shalt  }
0x4c: {  	_ =	shalt  }
0x4d: {  	_ =	shalt  }
0x4e: {  	_ =	shalt  }
0x4f: {  	_ =	shalt  }
0x50: {  	_ =	shalt  }
0x51: {  	_ =	shalt  }
0x52: {  	_ =	shalt  }
0x53: {  	_ =	shalt  }
0x54: {  	_ =	shalt  }
0x55: {  	_ =	shalt  }
0x56: {  	_ =	shalt  }
0x57: {  	_ =	shalt  }
0x58: {  	_ =	shalt  }
0x59: {  	_ =	shalt  }
0x5a: {  	_ =	shalt  }
0x5b: {  	_ =	shalt  }
0x5c: {  	_ =	shalt  }
0x5d: {  	_ =	shalt  }
0x5e: {  	_ =	shalt  }
0x5f: {  	_ =	shalt  }
0x60: {  	_ =	shalt  }
0x61: {  	_ =	shalt  }
0x62: {  	_ =	shalt  }
0x63: {  	_ =	shalt  }
0x64: {  	_ =	shalt  }
0x65: {  	_ =	shalt  }
0x66: {  	_ =	shalt  }
0x67: {  	_ =	shalt  }
0x68: {  	_ =	shalt  }
0x69: {  	_ =	shalt  }
0x6a: {  	_ =	shalt  }
0x6b: {  	_ =	shalt  }
0x6c: {  	_ =	shalt  }
0x6d: {  	_ =	shalt  }
0x6e: {  	_ =	shalt  }
0x6f: {  	_ =	shalt  }
0x70: {  	_ =	shalt  }
0x71: {  	_ =	shalt  }
0x72: {  	_ =	shalt  }
0x73: {  	_ =	shalt  }
0x74: {  	_ =	shalt  }
0x75: {  	_ =	shalt  }
0x76: {  	_ =	shalt  }
0x77: {  	_ =	shalt  }
0x78: {  	_ =	shalt  }
0x79: {  	_ =	shalt  }
0x7a: {  	_ =	shalt  }
0x7b: {  	_ =	shalt  }
0x7c: {  	_ =	shalt  }
0x7d: {  	_ =	shalt  }
0x7e: {  	_ =	shalt  }
0x7f: {  	_ =	shalt  }
0x80: {  	_ =	shalt  }
0x81: {  	_ =	shalt  }
0x82: {  	_ =	shalt  }
0x83: {  	_ =	shalt  }
0x84: {  	_ =	shalt  }
0x85: {  	_ =	shalt  }
0x86: {  	_ =	shalt  }
0x87: {  	_ =	shalt  }
.Lfunc_end0:
.L_simem_size_0:
called_computation_lowered:
.L_overlay_start_0:
0x88: {  	s2 =	sld [smem:$0x3FD9]  }
0x89: {  	s3 =	sld [smem:$0x3FFE];
	_ =	sdelay $0x1  }
0x8a: {  	s1 =	srdreg.scid  }
0x8b: {  	s0 =	sand.u32 $0x1, s1  }
0x8c: {  	s17 =	sshll.u32 s0, $0xA;
	s2 =	sadd.s32 s3, s2  }
0x8d: {  	s2 =	sadd.s32 s2, s17  }
0x8e: {  	[smem:$0x3FBB] =	sst s2  }
0x8f: {  	_ = 	snop  }
0x90: {  	s2 =	sld [smem:$0x3FC7]  }
0x91: {  	s18 =	sld [smem:$0x3FD0];
	(tm) =	ssettm $0x1  }
0x92: {  	s4 =	sld [smem:$0x3FFB];
	_ =	sdelay $0x3  }
0x93: {  	_ =	strace s4  }
0x94: {  	s4 =	sld [smem:$0x3FFC];
	_ =	sdelay $0x3  }
0x95: {  	_ =	strace s4  }
0x96: {  	s4 =	sld [smem:$0x3FFD];
	_ =	sdelay $0x3  }
0x97: {  	_ =	strace s4  }
0x98: {  	_ =	strace $0x8FFFFFFF  }
0x99: {  	s19 =	sld [smem:$0x3FDB];
	_ =	sdelay $0x1  }
0x9a: {  	s5 =	simm.s32 $_scs_section_size  }
0x9b: {  	s6 =	simm.s32 $_size__tile_overlayer_lowered;
	s7 =	simm.s32 $_tile_overlayer_lowered  }
0x9c: {  	s22 =	simm.s32 $0x1BFF;
	s21 =	sshll.u32 s7, $0x1;
	s4 =	sadd.s32 s5, s19  }
0x9d: {  	s8 =	simm.s32 $0x0;
	s20 =	sshll.u32 s6, $0x1;
	s6 =	sadd.s32 s21, s4  }
0x9e: {  	[timem:s8], [sflag:s22] =	dma.local [hbm:s6], s20  }
0x9f: {  	_ =	swait.ge [sflag:s22], s20  }
0xa0: {  	s5 =	ssub.s32 $0x0, s20;
	[sflag:s22] =	ssyncset.done $0x0  }
0xa1: {  	[sflag:s22] =	ssyncadd.s32 s5;
	_ =	sdelay $0x1  }
0xa2: {  	s23 =	simm.s32 $0x1B8B  }
0xa3: {  	_ =	swait.ge [sflag:s23], $0x1  }
0xa4: {  	[sflag:s23] =	ssyncset.done $0x0  }
0xa5: {  	s25 =	simm.s32 $0x1B8E;
	s24 =	sld [smem:$0x3FFE];
	[sflag:s23] =	ssyncadd.s32 $0xFFFFFFFF  }
0xa6: {  	s26 =	simm.s32 $execute0_lowered;
	[smem:$0x3FD2] =	sst s25  }
0xa7: {  	s6 =	sshll.u32 s26, $0x1;
	_ =	strace $0x80000046;
	[dreg:$0x1] =	wrdreg $0xFFFFFFFF  }
0xa8: {  	s28 =	simm.s32 $_size_execute0_lowered;
	s4 =	sadd.s32 s4, s6;
	[dreg:$0x0] =	wrdreg $0x0  }
0xa9: {  	s6 =	sshll.u32 s28, $0x1;
	[dreg:$0x2] =	wrdreg s4  }
0xaa: {  	[dreg:$0x3] =	wrdreg s6  }
0xab: {  	[dreg:$0x4] =	wrdreg $0xC0  }
0xac: {  	_ =	task [dreg:s8], $0x5FFFF  }
0xad: {  	[dreg:$0x1] =	wrdreg $0xFFFFFFFF  }
0xae: {  	[dreg:$0x0] =	wrdreg $0x60  }
0xaf: {  	[dreg:$0x2] =	wrdreg s2  }
0xb0: {  	[dreg:$0x3] =	wrdreg s24  }
0xb1: {  	[dreg:$0x4] =	wrdreg s18  }
0xb2: {  	[dreg:$0x5] =	wrdreg $0x9  }
0xb3: {  	_ =	task.clear_ibuf [dreg:s8], $0x6FFFF;
	_ =	strace $0x90000046  }
0xb4: {  	s29 =	simm.s32 $0x9;
	_ =	strace $0x80000048  }
0xb5: {  	_ =	swait.ge [sflag:s29], $0x1  }
0xb6: {  	[sflag:s29] =	ssyncadd.s32 $0xFFFFFFFF  }
0xb7: {  	_ =	strace $0x90000048  }
0xb8: {  	_ =	sfence  }
0xb9: {  	s30 =	sld [smem:$0x0];
	_ =	sdelay $0x2  }
0xba: {  	s31 =	sshll.u32 s1, $0xD;
	s1 =	sshrl.u32 s1, $0x2  }
0xbb: {  	s3 =	sand.u32 $0x4000, s31;
	s1 =	sadd.s32 s1, s30  }
0xbc: {  	s0 =	sor.u32 s3, s0;
	s1 =	sshll.u32 s1, $0x11  }
0xbd: {  	s0 =	sor.u32 s1, s0  }
0xbe: {  	s0 =	sadd.s32 $0x8F2B, s0  }
0xbf: {  	[sflag:s0] =	ssyncadd.remote.s32 $0x1  }
0xc0: {  	_ =	sfence.sel $0xFFFF  }
0xc1: {  	[dreg:$0x0] =	wrdreg $0xFFFFFFFF;
	(pc) =	sbr.abs _section_cstart, $3  }
0xc2: {  	[dreg:$0x1] =	wrdreg $0xFFFFFFFF  }
0xc3: {  	_ =	task.clear_ibuf [dreg:s8], $0x2FFFF;
	_ =	strace $0x9FFFFFFF  }
0xc4: {  	(tm) =	ssettm $0x7FFFFFFF  }
0xc5: {  	_ =	shalt  }
tec
execute0_lowered:
.L_overlay_start_1:
0x0: {  	(tag) =	ssettag $0x1  }
0x1: {  	s2 =	rddreg [dreg:$0x0]  }
0x2: {  	s16 =	rddreg [dreg:$0x1]  }
0x3: {  	s1 =	srdreg.scid;
	s0 =	stileid.u32  }
0x4: {  	s4 =	rddreg [dreg:$0x2];
	s13 =	sand.u32 $0x1, s1;
	s3 =	sshll.u32 s0, $0x1  }
0x5: {  	s1 =	rddreg [dreg:$0x3];
	s9 =	sor.u32 s13, s3  }
0x6: {  	p0 =	slt.u32 s0, $0x8;
	s5 =	sshll.u32 s9, $0x5;
	s8 =	sand.u32 $0xF, s9  }
0x7: {  	s3 =	simm.s32 $0x0;
	s5 =	sadd.s32 s5, s16;
	s6 =	sshll.u32 s8, $0x5  }
0x8: {  	[smem:$0x7FF] =	sst s3;
	s4 =	sadd.s32 s4, s6;
	s5 =	sadd.s32 $0x2E00, s5  }
0x9: {  	_ =	strace $0x80000047;
	s4 =	smov.u32 @p0 s5;
	s5 =	simm.s32 $0x2  }
0xa: {  	[tilespmem:s3], [sflag:$0x2] =	stream.linear.gather [hbm4b:s4+s3], $0x100, $0x38;
	[tilespmem:$0x8980] =	vst v63  }
0xb: {  	_ =	swait.ge [sflag:s5], $0x100  }
0xc: {  	s7 =	simm.s32 $0x1;
	s10 =	sadd.s32 $0x3200, s16;
	[sflag:s5] =	ssyncset.done $0x0  }
0xd: {  	s11 =	sadd.s32 $0x13200, s16;
	s6 =	simm.s32 $0x100;
	[sflag:s5] =	ssyncadd.s32 $0xFFFFFF00  }
0xe: {  	[tilespmem:s6], [sflag:$0x1] =	stream.indirect.gather [hbm4b:s2+s6], $0x80, s3, s6, $0xb8;
	[tilespmem:$0x8980] =	vst v63  }
0xf: {  	s11 =	smov.u32 @p0 s10;
	_ =	swait.ge [sflag:s7], $0x8000  }
0x10: {  	s10 =	sadd.s32 $0x3000, s16;
	s8 =	sshll.u32 s8, $0xC;
	[sflag:s7] =	ssyncset.done $0x0  }
0x11: {  	s17 =	ssub.s32 $0x2, s13;
	s8 =	sadd.s32 s11, s8;
	[sflag:s7] =	ssyncadd.s32 $0xFFFF8000  }
0x12: {  	[hbm4b:s8+s3] =	stream.linear.scatter [tilespmem:s6], [sflag:$0x2], $0x8000, $0x38;
	[tilespmem:$0x8980] =	vst v63  }
0x13: {  	s18 =	sshrl.u32 s17, $0x1;
	p0 =	sne.s32 s9, $0x1F;
	_ =	swait.ge [sflag:s5], $0x8000  }
0x14: {  	s17 =	ssub.s32 s17, s18;
	s9 =	simm.s32 @!p0 $0x2;
	[sflag:s5] =	ssyncset.done $0x0  }
0x15: {  	s11 =	simm.s32 @!p0 $0x0;
	s12 =	simm.s32 @!p0 $0x8100;
	[sflag:s5] =	ssyncadd.s32 $0xFFFF8000  }
0x16: {  	[tilespmem:s12], [sflag:$0x2] =	stream.linear.gather @!p0 [hbm4b:s10+s11], $0x80, $0x38;
	[tilespmem:$0x8980] =	vst v63  }
0x17: {  	s17 =	smax.u32 s17, $0x1;
	_ =	swait.ge @!p0 [sflag:s9], $0x80  }
0x18: {  	s17 =	sadd.s32 $0xFFFFFFFF, s17;
	s13 =	simm.s32 @!p0 $0x1;
	[sflag:s9] =	ssyncset.done @!p0 $0x0  }
0x19: {  	s14 =	simm.s32 @!p0 $0x10;
	s15 =	simm.s32 @!p0 $0x8180;
	[sflag:s9] =	ssyncadd.s32 @!p0 $0xFFFFFF80  }
0x1a: {  	[tilespmem:s15], [sflag:$0x1] =	stream.indirect.gather @!p0 [hbm4b:s2+s14], $0x80, s12, s14, $0xb8;
	[tilespmem:$0x8980] =	vst v63  }
0x1b: {  	p1 =	sne.s32 s17, $0x0;
	_ =	swait.ge @!p0 [sflag:s13], $0x800  }
.Ltmp0:
0x1c: {  	[sflag:s13] =	ssyncset.done @!p0 $0x0;
	(pc) =	sbr.rel @!p1 .LBB2_2-.Ltmp0, $4  }
0x1d: {  	s16 =	sadd.s32 $0x23200, s16;
	[sflag:s13] =	ssyncadd.s32 @!p0 $0xFFFFF800  }
0x1e: {  	[hbm4b:s16+s11] =	stream.linear.scatter @!p0 [tilespmem:s15], [sflag:$0x2], $0x800, $0x38;
	[tilespmem:$0x8980] =	vst v63  }
0x1f: {  	_ =	swait.ge @!p0 [sflag:s9], $0x800  }
0x20: {  	[sflag:s9] =	ssyncset.done @!p0 $0x0  }
.LBB2_1:
0x21: {  	s17 =	sadd.s32 $0xFFFFFFFF, s17;
	[sflag:s9] =	ssyncadd.s32 @!p0 $0xFFFFF800  }
0x22: {  	[tilespmem:s3], [sflag:$0x2] =	stream.linear.gather [hbm4b:s4+s3], $0x100, $0x38;
	[tilespmem:$0x8980] =	vst v63  }
0x23: {  	p1 =	sne.s32 s17, $0x0;
	_ =	swait.ge [sflag:s5], $0x100  }
0x24: {  	[sflag:s5] =	ssyncset.done $0x0  }
0x25: {  	[sflag:s5] =	ssyncadd.s32 $0xFFFFFF00  }
0x26: {  	[tilespmem:s6], [sflag:$0x1] =	stream.indirect.gather [hbm4b:s2+s6], $0x80, s3, s6, $0xb8;
	[tilespmem:$0x8980] =	vst v63  }
0x27: {  	_ =	swait.ge [sflag:s7], $0x8000  }
0x28: {  	[sflag:s7] =	ssyncset.done $0x0  }
0x29: {  	[sflag:s7] =	ssyncadd.s32 $0xFFFF8000  }
0x2a: {  	[hbm4b:s8+s3] =	stream.linear.scatter [tilespmem:s6], [sflag:$0x2], $0x8000, $0x38;
	[tilespmem:$0x8980] =	vst v63  }
0x2b: {  	_ =	swait.ge [sflag:s5], $0x8000  }
0x2c: {  	[sflag:s5] =	ssyncset.done $0x0  }
0x2d: {  	[sflag:s5] =	ssyncadd.s32 $0xFFFF8000  }
0x2e: {  	[tilespmem:s12], [sflag:$0x2] =	stream.linear.gather @!p0 [hbm4b:s10+s11], $0x80, $0x38;
	[tilespmem:$0x8980] =	vst v63  }
0x2f: {  	_ =	swait.ge @!p0 [sflag:s9], $0x80  }
0x30: {  	[sflag:s9] =	ssyncset.done @!p0 $0x0  }
0x31: {  	[sflag:s9] =	ssyncadd.s32 @!p0 $0xFFFFFF80  }
0x32: {  	[tilespmem:s15], [sflag:$0x1] =	stream.indirect.gather @!p0 [hbm4b:s2+s14], $0x80, s12, s14, $0xb8;
	[tilespmem:$0x8980] =	vst v63  }
0x33: {  	_ =	swait.ge @!p0 [sflag:s13], $0x800  }
.Ltmp1:
0x34: {  	[sflag:s13] =	ssyncset.done @!p0 $0x0;
	(pc) =	sbr.rel @p1 .LBB2_1-.Ltmp1, $4  }
0x35: {  	[sflag:s13] =	ssyncadd.s32 @!p0 $0xFFFFF800  }
0x36: {  	[hbm4b:s16+s11] =	stream.linear.scatter @!p0 [tilespmem:s15], [sflag:$0x2], $0x800, $0x38;
	[tilespmem:$0x8980] =	vst v63  }
0x37: {  	_ =	swait.ge @!p0 [sflag:s9], $0x800  }
0x38: {  	[sflag:s9] =	ssyncset.done @!p0 $0x0  }
.LBB2_2:
0x39: {  	[sflag:s9] =	ssyncadd.s32 @!p0 $0xFFFFF800  }
0x3a: {  	_ =	sfence.sel $0x180000  }
0x3b: {  	[bflag:$0x0] =	sbarrier.arrive $0xFFFF  }
0x3c: {  	p0 =	sne.s32 s0, $0x0;
	_ =	strace $0x90000047  }
0x3d: {  	s0 =	sadd.s32 @!p0 $0x100000, s1;
	[bflag:$0x2] =	sbarrier.arrive $0xFFFF  }
0x3e: {  	[sflag:s0] =	ssyncadd.tile.s32 @!p0 $0x1;
	_ =	shalt  }
.Lfunc_end2:
_tile_overlayer_lowered:
.L_overlay_start_2:
0x3f: {  	(tag) =	ssettag $0x2  }
0x40: {  	s0 =	rddreg [dreg:$0x0];
	s2 =	stileid.u32  }
0x41: {  	s1 =	rddreg [dreg:$0x1];
	p0 =	sne.s32 s2, $0x0  }
0x42: {  	s3 =	rddreg [dreg:$0x2];
	[bflag:$0x3] =	sbarrier.arrive $0xFFFF;
	s2 =	simm.s32 @!p0 $0x1C02  }
0x43: {  	[timem:s3], [sflag:s2] =	dma.local @!p0 [hbm:s0], s1  }
0x44: {  	s0 =	simm.s32 @!p0 $0x2  }
0x45: {  	_ =	swait.ge @!p0 [sflag:s0], s1  }
0x46: {  	s1 =	ssub.s32 @!p0 $0x0, s1;
	[sflag:s0] =	ssyncset.done @!p0 $0x0  }
0x47: {  	[sflag:s0] =	ssyncadd.s32 @!p0 s1  }
0x48: {  	[bflag:$0x3] =	sbarrier.arrive $0xFFFF  }
0x49: {  	_ =	shalt  }

</sc_bundles>
